<compile_context>
chip_gen: v7x
topology: tpu7x:2x2x1
jax: 0.10.2.dev20260603
libtpu: 0.0.44.dev20260713+nightly
codegen_flags: <defaults>
</compile_context>

<pallas_src>
import functools

import jax
import jax.numpy as jnp
from jax import lax
from jax.experimental import pallas as pl
from jax.experimental.pallas import tpu as pltpu
from jax.experimental.pallas import tpu_sc as plsc

BM = 256


def _sc_scatter_rows(src, idx):
    M, D = src.shape
    info = plsc.get_sparse_core_info()
    NC, NS = info.num_cores, info.num_subcores
    NW = NC * NS
    per_w = M // NW
    ch = per_w
    while 2 * ch * D * 4 > 500 * 1024:
        ch //= 2
    nch = per_w // ch
    idx2 = idx.reshape(M // ch, ch)
    mesh = plsc.VectorSubcoreMesh(core_axis_name="c", subcore_axis_name="s")

    @functools.partial(
        pl.kernel,
        out_type=jax.ShapeDtypeStruct((M, D), src.dtype),
        mesh=mesh,
        scratch_types=[
            pltpu.VMEM((nch, ch), jnp.int32),
            pltpu.VMEM((ch, D), src.dtype),
            pltpu.VMEM((ch, D), src.dtype),
            pltpu.SemaphoreType.DMA,
            pltpu.SemaphoreType.DMA,
            pltpu.SemaphoreType.DMA,
            pltpu.SemaphoreType.DMA,
        ],
    )
    def body(src_hbm, idx_hbm, out_hbm, idx_v, row0, row1, ls0, ls1, ss0, ss1):
        wid = lax.axis_index("s") * NC + lax.axis_index("c")
        base = wid * per_w
        pltpu.sync_copy(idx_hbm.at[pl.ds(wid * nch, nch)], idx_v)
        rows = (row0, row1)
        lsem = (ls0, ls1)
        ssem = (ss0, ss1)
        loads = [None, None]
        scats = [None, None]
        loads[0] = pltpu.async_copy(src_hbm.at[pl.ds(base, ch)], rows[0], lsem[0])
        for c in range(nch):
            b = c & 1
            nb = 1 - b
            if c + 1 < nch:
                if scats[nb] is not None:
                    scats[nb].wait()
                loads[nb] = pltpu.async_copy(
                    src_hbm.at[pl.ds(base + (c + 1) * ch, ch)], rows[nb], lsem[nb])
            loads[b].wait()
            scats[b] = pltpu.async_copy(rows[b], out_hbm.at[idx_v.at[c]], ssem[b])
        for s in scats:
            if s is not None:
                s.wait()

    return body(src, idx2)


def _sc_gather_rows(src, idx):
    M = idx.shape[0]
    D = src.shape[1]
    info = plsc.get_sparse_core_info()
    NC, NS = info.num_cores, info.num_subcores
    NW = NC * NS
    per_w = M // NW
    ch = per_w
    while ch * D * 4 > 256 * 1024:
        ch //= 2
    mesh = plsc.VectorSubcoreMesh(core_axis_name="c", subcore_axis_name="s")

    @functools.partial(
        pl.kernel,
        out_type=jax.ShapeDtypeStruct((M, D), src.dtype),
        mesh=mesh,
        scratch_types=[
            pltpu.VMEM((ch,), jnp.int32),
            pltpu.VMEM((ch, D), src.dtype),
            pltpu.SemaphoreType.DMA,
        ],
    )
    def body(src_hbm, idx_hbm, out_hbm, idx_v, rows_v, sem):
        wid = lax.axis_index("s") * NC + lax.axis_index("c")
        for c in range(per_w // ch):
            base = wid * per_w + c * ch
            pltpu.sync_copy(idx_hbm.at[pl.ds(base, ch)], idx_v)
            pltpu.async_copy(src_hbm.at[idx_v], rows_v, sem).wait()
            pltpu.sync_copy(rows_v, out_hbm.at[pl.ds(base, ch)])

    return body(src, idx)


def _gmm_body(grp_ref, tile_ref, lo_ref, hi_ref, x_ref, w_ref, o_ref):
    i = pl.program_id(0)
    rows = lax.broadcasted_iota(jnp.int32, (BM, 1), 0)
    mask = (rows >= lo_ref[i]) & (rows < hi_ref[i])
    p = jnp.dot(x_ref[...], w_ref[0], preferred_element_type=jnp.float32)
    o_ref[...] = jnp.where(mask, p, o_ref[...])


def _tc_gmm(x_sorted, w, grp, tile, lo, hi, steps):
    M, K = x_sorted.shape
    E, _, N = w.shape
    grid_spec = pltpu.PrefetchScalarGridSpec(
        num_scalar_prefetch=4,
        grid=(steps,),
        in_specs=[
            pl.BlockSpec((BM, K), lambda i, grp, tile, lo, hi: (tile[i], 0)),
            pl.BlockSpec((1, K, N), lambda i, grp, tile, lo, hi: (grp[i], 0, 0)),
        ],
        out_specs=pl.BlockSpec((BM, N), lambda i, grp, tile, lo, hi: (tile[i], 0)),
    )
    return pl.pallas_call(
        _gmm_body,
        grid_spec=grid_spec,
        out_shape=jax.ShapeDtypeStruct((M, N), jnp.float32),
        compiler_params=pltpu.CompilerParams(
            dimension_semantics=("arbitrary",),
        ),
    )(grp, tile, lo, hi, x_sorted, w)


def _routing_metadata(sel, M, E):
    i32 = jnp.int32
    B = 512
    G = M // B
    oh = (sel[:, None] == jnp.arange(E, dtype=sel.dtype)[None, :]).astype(jnp.float32)
    ohb = oh.reshape(G, B, E)
    tri = jnp.tril(jnp.ones((B, B), jnp.float32))
    within = jax.lax.dot_general(tri, ohb, (((1,), (1,)), ((), ())))
    within = within.transpose(1, 0, 2)
    blocksum = within[:, -1, :]
    blockpref = jnp.cumsum(blocksum, axis=0) - blocksum
    cumf = (within + blockpref[:, None, :]).reshape(M, E)
    cnt = (blocksum[-1] + blockpref[-1]).astype(i32)
    starts = jnp.concatenate([jnp.zeros(1, i32), jnp.cumsum(cnt)[:-1].astype(i32)])
    ends = starts + cnt
    rank = jnp.sum(cumf * oh, axis=1).astype(i32) - 1
    pos = jnp.sum(starts[None, :].astype(jnp.float32) * oh, axis=1).astype(i32) + rank

    T = M // BM
    S = T + E - 1
    first_tile = starts // BM
    ntiles = jnp.where(cnt > 0, (ends + BM - 1) // BM - first_tile, 0)
    incl = jnp.cumsum(ntiles)
    total = incl[-1]
    step_start = incl - ntiles
    i = jnp.arange(S, dtype=i32)
    g = jnp.minimum(jnp.sum(incl[None, :] <= i[:, None], axis=1), E - 1)
    tile = first_tile[g] + (i - step_start[g])
    valid = i < total
    tile = jnp.where(valid, tile, T - 1).astype(i32)
    lo = jnp.where(valid, jnp.clip(starts[g] - tile * BM, 0, BM), 0).astype(i32)
    hi = jnp.where(valid, jnp.clip(ends[g] - tile * BM, 0, BM), 0).astype(i32)
    grp = jnp.where(valid, g, E - 1).astype(i32)
    return pos.astype(i32), grp, tile, lo, hi, S


def kernel(x, sel, w):
    M, K = x.shape
    E, _, N = w.shape
    pos, grp, tile, lo, hi, steps = _routing_metadata(sel, M, E)
    x_sorted = _sc_scatter_rows(x, pos)
    out_sorted = _tc_gmm(x_sorted, w, grp, tile, lo, hi, steps)
    return _sc_gather_rows(out_sorted, pos)

# --- scband reference (transcript-rebuilt; emitter-appended) ---
"""Pipeline reference for scband-model-11879879543882 (READ-ONLY COPY).

The authoritative reference and input builder live on the scoring server;
editing this copy changes nothing except your own understanding.
"""

import jax, jax.numpy as jnp
import numpy as np


def setup_inputs(seed: int = 0) -> dict:
    key = jax.random.key(seed)
    k1, k2, k3 = jax.random.split(key, 3)
    x = jax.random.normal(k1, (8192, 1024), dtype=jnp.float32)
    sel = jax.random.randint(k2, (8192,), 0, 16, dtype=jnp.int32)
    w = jax.random.normal(k3, (16, 1024, 256), dtype=jnp.float32)
    return {"x": x, "sel": sel, "w": w}


def reference(x, sel, w):
    # cvmm semantics: for each token i, out[i] = x[i] @ w[sel[i]].
    # The torch version sorts sel and writes results back through sel_index,
    # which is mathematically equivalent to a per-token expert matmul.
    fsel = sel.flatten()
    x2 = x.reshape(-1, x.shape[-1])
    # gather per-token expert weight matrices [M, K, N]
    w_sel = jnp.take(w, fsel, axis=0)
    out = jnp.einsum('mk,mkn->mn', x2, w_sel)
    return out.reshape(*sel.shape, w.shape[-1])

if __name__ == "__main__":
    import jax
    _d = setup_inputs()
    print(jax.jit(kernel)(*tuple(_d.values())))

</pallas_src>

<mosaic_0001>
#map = affine_map<(d0, d1) -> (0, 0)>
module attributes {stable_mosaic.version = 14 : i64} {
  func.func @body(%arg0: i32, %arg1: i32, %arg2: memref<8192x1024xf32, #tpu.memory_space<hbm>>, %arg3: memref<256x32xi32, #tpu.memory_space<hbm>>, %arg4: memref<8192x1024xf32, #tpu.memory_space<hbm>>, %arg5: memref<8x32xi32, #tpu.memory_space<vmem>>, %arg6: memref<32x1024xf32, #tpu.memory_space<vmem>>, %arg7: memref<32x1024xf32, #tpu.memory_space<vmem>>, %arg8: memref<!tpu.dma_semaphore, #tpu.memory_space<semaphore_mem>>, %arg9: memref<!tpu.dma_semaphore, #tpu.memory_space<semaphore_mem>>, %arg10: memref<!tpu.dma_semaphore, #tpu.memory_space<semaphore_mem>>, %arg11: memref<!tpu.dma_semaphore, #tpu.memory_space<semaphore_mem>>) attributes {dimension_semantics = [#tpu.dimension_semantics<core_parallel>, #tpu.dimension_semantics<subcore_parallel>], iteration_bounds = array<i64: 2, 16>, scalar_prefetch = 0 : i64, scratch_operands = 7 : i64, tpu.core_type = #tpu.core_type<sc_vector_subcore>, window_params = [{transform_indices = #map}, {transform_indices = #map}, {transform_indices = #map}]} {
    %mul3A = arith.constant 2 : i32
    %mul3A_0 = arith.muli %arg1, %mul3A : i32
    %add3A = arith.addi %mul3A_0, %arg0 : i32
    %mul3A_1 = arith.constant 256 : i32
    %mul3A_2 = arith.muli %add3A, %mul3A_1 : i32
    %mul3A_3 = arith.constant 8 : i32
    %mul3A_4 = arith.muli %add3A, %mul3A_3 : i32
    "tpu.region"() ({
      %run_scoped3A = tpu.sem_alloc : memref<!tpu.dma_semaphore, #tpu.memory_space<semaphore_mem>>
      %dma_start3A_193 = arith.constant 0 : i32
      %dma_start3A_194 = tpu.memref_slice %arg3[%mul3A_4, %dma_start3A_193] : memref<256x32xi32, #tpu.memory_space<hbm>> -> memref<8x32xi32, #tpu.memory_space<hbm>>
      %dma_start3A_195 = arith.constant 0 : i32
      %dma_start3A_196 = tpu.memref_slice %arg3[%mul3A_4, %dma_start3A_195] : memref<256x32xi32, #tpu.memory_space<hbm>> -> memref<8x32xi32, #tpu.memory_space<hbm>>
      tpu.enqueue_dma source(%dma_start3A_196 : memref<8x32xi32, #tpu.memory_space<hbm>>) target(%arg5 : memref<8x32xi32, #tpu.memory_space<vmem>>) target_semaphore(%run_scoped3A : memref<!tpu.dma_semaphore, #tpu.memory_space<semaphore_mem>>)
      %dma_wait3A_197 = arith.constant 0 : i32
      %dma_wait3A_198 = tpu.memref_slice %arg3[%mul3A_4, %dma_wait3A_197] : memref<256x32xi32, #tpu.memory_space<hbm>> -> memref<8x32xi32, #tpu.memory_space<hbm>>
      %dma_wait3A_199 = arith.constant 0 : i32
      %dma_wait3A_200 = tpu.memref_slice %arg3[%mul3A_4, %dma_wait3A_199] : memref<256x32xi32, #tpu.memory_space<hbm>> -> memref<8x32xi32, #tpu.memory_space<hbm>>
      tpu.wait_dma2 semaphore(%run_scoped3A : memref<!tpu.dma_semaphore, #tpu.memory_space<semaphore_mem>>) src(%dma_wait3A_200 : memref<8x32xi32, #tpu.memory_space<hbm>>) dst(%arg5 : memref<8x32xi32, #tpu.memory_space<vmem>>)
      tpu.yield
    }) : () -> ()
    %dma_start3A = arith.constant 0 : i32
    %dma_start3A_5 = tpu.memref_slice %arg2[%mul3A_2, %dma_start3A] : memref<8192x1024xf32, #tpu.memory_space<hbm>> -> memref<32x1024xf32, #tpu.memory_space<hbm>>
    %dma_start3A_6 = arith.constant 0 : i32
    %dma_start3A_7 = tpu.memref_slice %arg2[%mul3A_2, %dma_start3A_6] : memref<8192x1024xf32, #tpu.memory_space<hbm>> -> memref<32x1024xf32, #tpu.memory_space<hbm>>
    tpu.enqueue_dma source(%dma_start3A_7 : memref<32x1024xf32, #tpu.memory_space<hbm>>) target(%arg6 : memref<32x1024xf32, #tpu.memory_space<vmem>>) target_semaphore(%arg8 : memref<!tpu.dma_semaphore, #tpu.memory_space<semaphore_mem>>)
    %add3A_8 = arith.constant 32 : i32
    %add3A_9 = arith.addi %mul3A_2, %add3A_8 : i32
    %dma_start3A_10 = arith.constant 0 : i32
    %dma_start3A_11 = tpu.memref_slice %arg2[%add3A_9, %dma_start3A_10] : memref<8192x1024xf32, #tpu.memory_space<hbm>> -> memref<32x1024xf32, #tpu.memory_space<hbm>>
    %dma_start3A_12 = arith.constant 0 : i32
    %dma_start3A_13 = tpu.memref_slice %arg2[%add3A_9, %dma_start3A_12] : memref<8192x1024xf32, #tpu.memory_space<hbm>> -> memref<32x1024xf32, #tpu.memory_space<hbm>>
    tpu.enqueue_dma source(%dma_start3A_13 : memref<32x1024xf32, #tpu.memory_space<hbm>>) target(%arg7 : memref<32x1024xf32, #tpu.memory_space<vmem>>) target_semaphore(%arg9 : memref<!tpu.dma_semaphore, #tpu.memory_space<semaphore_mem>>)
    %dma_wait3A = arith.constant 0 : i32
    %dma_wait3A_14 = tpu.memref_slice %arg2[%mul3A_2, %dma_wait3A] : memref<8192x1024xf32, #tpu.memory_space<hbm>> -> memref<32x1024xf32, #tpu.memory_space<hbm>>
    %dma_wait3A_15 = arith.constant 0 : i32
    %dma_wait3A_16 = tpu.memref_slice %arg2[%mul3A_2, %dma_wait3A_15] : memref<8192x1024xf32, #tpu.memory_space<hbm>> -> memref<32x1024xf32, #tpu.memory_space<hbm>>
    tpu.wait_dma2 semaphore(%arg8 : memref<!tpu.dma_semaphore, #tpu.memory_space<semaphore_mem>>) src(%dma_wait3A_16 : memref<32x1024xf32, #tpu.memory_space<hbm>>) dst(%arg6 : memref<32x1024xf32, #tpu.memory_space<vmem>>)
    %dma_start3A_17 = arith.constant 0 : i32
    %dma_start3A_18 = arith.constant 0 : i32
    %dma_start3A_19 = tpu.memref_slice %arg5[%dma_start3A_17, %dma_start3A_18] : memref<8x32xi32, #tpu.memory_space<vmem>> -> memref<1x32xi32, #tpu.memory_space<vmem>>
    %dma_start3A_20 = tpu.memref_squeeze %dma_start3A_19 : memref<1x32xi32, #tpu.memory_space<vmem>> -> memref<32xi32, #tpu.memory_space<vmem>>
    %dma_start3A_21 = arith.constant 0 : i32
    %dma_start3A_22 = arith.constant 0 : i32
    %dma_start3A_23 = tpu.memref_slice %arg4[%dma_start3A_21, %dma_start3A_22] : memref<8192x1024xf32, #tpu.memory_space<hbm>> -> memref<8192x1024xf32, #tpu.memory_space<hbm>>
    tpu.enqueue_indirect_dma source(%arg6 : memref<32x1024xf32, #tpu.memory_space<vmem>>) target(%dma_start3A_23 : memref<8192x1024xf32, #tpu.memory_space<hbm>>) offsets(%dma_start3A_20 : memref<32xi32, #tpu.memory_space<vmem>>) semaphore(%arg10 : memref<!tpu.dma_semaphore, #tpu.memory_space<semaphore_mem>>)
    %dma_wait3A_24 = arith.constant 0 : i32
    %dma_wait3A_25 = arith.constant 0 : i32
    %dma_wait3A_26 = tpu.memref_slice %arg5[%dma_wait3A_24, %dma_wait3A_25] : memref<8x32xi32, #tpu.memory_space<vmem>> -> memref<1x32xi32, #tpu.memory_space<vmem>>
    %dma_wait3A_27 = tpu.memref_squeeze %dma_wait3A_26 : memref<1x32xi32, #tpu.memory_space<vmem>> -> memref<32xi32, #tpu.memory_space<vmem>>
    %dma_wait3A_28 = arith.constant 0 : i32
    %dma_wait3A_29 = arith.constant 0 : i32
    %dma_wait3A_30 = tpu.memref_slice %arg4[%dma_wait3A_28, %dma_wait3A_29] : memref<8192x1024xf32, #tpu.memory_space<hbm>> -> memref<8192x1024xf32, #tpu.memory_space<hbm>>
    tpu.wait_indirect_dma semaphore(%arg10 : memref<!tpu.dma_semaphore, #tpu.memory_space<semaphore_mem>>) src(%arg6 : memref<32x1024xf32, #tpu.memory_space<vmem>>) dst(%dma_wait3A_30 : memref<8192x1024xf32, #tpu.memory_space<hbm>>)
    %add3A_31 = arith.constant 64 : i32
    %add3A_32 = arith.addi %mul3A_2, %add3A_31 : i32
    %dma_start3A_33 = arith.constant 0 : i32
    %dma_start3A_34 = tpu.memref_slice %arg2[%add3A_32, %dma_start3A_33] : memref<8192x1024xf32, #tpu.memory_space<hbm>> -> memref<32x1024xf32, #tpu.memory_space<hbm>>
    %dma_start3A_35 = arith.constant 0 : i32
    %dma_start3A_36 = tpu.memref_slice %arg2[%add3A_32, %dma_start3A_35] : memref<8192x1024xf32, #tpu.memory_space<hbm>> -> memref<32x1024xf32, #tpu.memory_space<hbm>>
    tpu.enqueue_dma source(%dma_start3A_36 : memref<32x1024xf32, #tpu.memory_space<hbm>>) target(%arg6 : memref<32x1024xf32, #tpu.memory_space<vmem>>) target_semaphore(%arg8 : memref<!tpu.dma_semaphore, #tpu.memory_space<semaphore_mem>>)
    %dma_wait3A_37 = arith.constant 0 : i32
    %dma_wait3A_38 = tpu.memref_slice %arg2[%add3A_9, %dma_wait3A_37] : memref<8192x1024xf32, #tpu.memory_space<hbm>> -> memref<32x1024xf32, #tpu.memory_space<hbm>>
    %dma_wait3A_39 = arith.constant 0 : i32
    %dma_wait3A_40 = tpu.memref_slice %arg2[%add3A_9, %dma_wait3A_39] : memref<8192x1024xf32, #tpu.memory_space<hbm>> -> memref<32x1024xf32, #tpu.memory_space<hbm>>
    tpu.wait_dma2 semaphore(%arg9 : memref<!tpu.dma_semaphore, #tpu.memory_space<semaphore_mem>>) src(%dma_wait3A_40 : memref<32x1024xf32, #tpu.memory_space<hbm>>) dst(%arg7 : memref<32x1024xf32, #tpu.memory_space<vmem>>)
    %dma_start3A_41 = arith.constant 1 : i32
    %dma_start3A_42 = arith.constant 0 : i32
    %dma_start3A_43 = tpu.memref_slice %arg5[%dma_start3A_41, %dma_start3A_42] : memref<8x32xi32, #tpu.memory_space<vmem>> -> memref<1x32xi32, #tpu.memory_space<vmem>>
    %dma_start3A_44 = tpu.memref_squeeze %dma_start3A_43 : memref<1x32xi32, #tpu.memory_space<vmem>> -> memref<32xi32, #tpu.memory_space<vmem>>
    %dma_start3A_45 = arith.constant 0 : i32
    %dma_start3A_46 = arith.constant 0 : i32
    %dma_start3A_47 = tpu.memref_slice %arg4[%dma_start3A_45, %dma_start3A_46] : memref<8192x1024xf32, #tpu.memory_space<hbm>> -> memref<8192x1024xf32, #tpu.memory_space<hbm>>
    tpu.enqueue_indirect_dma source(%arg7 : memref<32x1024xf32, #tpu.memory_space<vmem>>) target(%dma_start3A_47 : memref<8192x1024xf32, #tpu.memory_space<hbm>>) offsets(%dma_start3A_44 : memref<32xi32, #tpu.memory_space<vmem>>) semaphore(%arg11 : memref<!tpu.dma_semaphore, #tpu.memory_space<semaphore_mem>>)
    %dma_wait3A_48 = arith.constant 1 : i32
    %dma_wait3A_49 = arith.constant 0 : i32
    %dma_wait3A_50 = tpu.memref_slice %arg5[%dma_wait3A_48, %dma_wait3A_49] : memref<8x32xi32, #tpu.memory_space<vmem>> -> memref<1x32xi32, #tpu.memory_space<vmem>>
    %dma_wait3A_51 = tpu.memref_squeeze %dma_wait3A_50 : memref<1x32xi32, #tpu.memory_space<vmem>> -> memref<32xi32, #tpu.memory_space<vmem>>
    %dma_wait3A_52 = arith.constant 0 : i32
    %dma_wait3A_53 = arith.constant 0 : i32
    %dma_wait3A_54 = tpu.memref_slice %arg4[%dma_wait3A_52, %dma_wait3A_53] : memref<8192x1024xf32, #tpu.memory_space<hbm>> -> memref<8192x1024xf32, #tpu.memory_space<hbm>>
    tpu.wait_indirect_dma semaphore(%arg11 : memref<!tpu.dma_semaphore, #tpu.memory_space<semaphore_mem>>) src(%arg7 : memref<32x1024xf32, #tpu.memory_space<vmem>>) dst(%dma_wait3A_54 : memref<8192x1024xf32, #tpu.memory_space<hbm>>)
    %add3A_55 = arith.constant 96 : i32
    %add3A_56 = arith.addi %mul3A_2, %add3A_55 : i32
    %dma_start3A_57 = arith.constant 0 : i32
    %dma_start3A_58 = tpu.memref_slice %arg2[%add3A_56, %dma_start3A_57] : memref<8192x1024xf32, #tpu.memory_space<hbm>> -> memref<32x1024xf32, #tpu.memory_space<hbm>>
    %dma_start3A_59 = arith.constant 0 : i32
    %dma_start3A_60 = tpu.memref_slice %arg2[%add3A_56, %dma_start3A_59] : memref<8192x1024xf32, #tpu.memory_space<hbm>> -> memref<32x1024xf32, #tpu.memory_space<hbm>>
    tpu.enqueue_dma source(%dma_start3A_60 : memref<32x1024xf32, #tpu.memory_space<hbm>>) target(%arg7 : memref<32x1024xf32, #tpu.memory_space<vmem>>) target_semaphore(%arg9 : memref<!tpu.dma_semaphore, #tpu.memory_space<semaphore_mem>>)
    %dma_wait3A_61 = arith.constant 0 : i32
    %dma_wait3A_62 = tpu.memref_slice %arg2[%add3A_32, %dma_wait3A_61] : memref<8192x1024xf32, #tpu.memory_space<hbm>> -> memref<32x1024xf32, #tpu.memory_space<hbm>>
    %dma_wait3A_63 = arith.constant 0 : i32
    %dma_wait3A_64 = tpu.memref_slice %arg2[%add3A_32, %dma_wait3A_63] : memref<8192x1024xf32, #tpu.memory_space<hbm>> -> memref<32x1024xf32, #tpu.memory_space<hbm>>
    tpu.wait_dma2 semaphore(%arg8 : memref<!tpu.dma_semaphore, #tpu.memory_space<semaphore_mem>>) src(%dma_wait3A_64 : memref<32x1024xf32, #tpu.memory_space<hbm>>) dst(%arg6 : memref<32x1024xf32, #tpu.memory_space<vmem>>)
    %dma_start3A_65 = arith.constant 2 : i32
    %dma_start3A_66 = arith.constant 0 : i32
    %dma_start3A_67 = tpu.memref_slice %arg5[%dma_start3A_65, %dma_start3A_66] : memref<8x32xi32, #tpu.memory_space<vmem>> -> memref<1x32xi32, #tpu.memory_space<vmem>>
    %dma_start3A_68 = tpu.memref_squeeze %dma_start3A_67 : memref<1x32xi32, #tpu.memory_space<vmem>> -> memref<32xi32, #tpu.memory_space<vmem>>
    %dma_start3A_69 = arith.constant 0 : i32
    %dma_start3A_70 = arith.constant 0 : i32
    %dma_start3A_71 = tpu.memref_slice %arg4[%dma_start3A_69, %dma_start3A_70] : memref<8192x1024xf32, #tpu.memory_space<hbm>> -> memref<8192x1024xf32, #tpu.memory_space<hbm>>
    tpu.enqueue_indirect_dma source(%arg6 : memref<32x1024xf32, #tpu.memory_space<vmem>>) target(%dma_start3A_71 : memref<8192x1024xf32, #tpu.memory_space<hbm>>) offsets(%dma_start3A_68 : memref<32xi32, #tpu.memory_space<vmem>>) semaphore(%arg10 : memref<!tpu.dma_semaphore, #tpu.memory_space<semaphore_mem>>)
    %dma_wait3A_72 = arith.constant 2 : i32
    %dma_wait3A_73 = arith.constant 0 : i32
    %dma_wait3A_74 = tpu.memref_slice %arg5[%dma_wait3A_72, %dma_wait3A_73] : memref<8x32xi32, #tpu.memory_space<vmem>> -> memref<1x32xi32, #tpu.memory_space<vmem>>
    %dma_wait3A_75 = tpu.memref_squeeze %dma_wait3A_74 : memref<1x32xi32, #tpu.memory_space<vmem>> -> memref<32xi32, #tpu.memory_space<vmem>>
    %dma_wait3A_76 = arith.constant 0 : i32
    %dma_wait3A_77 = arith.constant 0 : i32
    %dma_wait3A_78 = tpu.memref_slice %arg4[%dma_wait3A_76, %dma_wait3A_77] : memref<8192x1024xf32, #tpu.memory_space<hbm>> -> memref<8192x1024xf32, #tpu.memory_space<hbm>>
    tpu.wait_indirect_dma semaphore(%arg10 : memref<!tpu.dma_semaphore, #tpu.memory_space<semaphore_mem>>) src(%arg6 : memref<32x1024xf32, #tpu.memory_space<vmem>>) dst(%dma_wait3A_78 : memref<8192x1024xf32, #tpu.memory_space<hbm>>)
    %add3A_79 = arith.constant 128 : i32
    %add3A_80 = arith.addi %mul3A_2, %add3A_79 : i32
    %dma_start3A_81 = arith.constant 0 : i32
    %dma_start3A_82 = tpu.memref_slice %arg2[%add3A_80, %dma_start3A_81] : memref<8192x1024xf32, #tpu.memory_space<hbm>> -> memref<32x1024xf32, #tpu.memory_space<hbm>>
    %dma_start3A_83 = arith.constant 0 : i32
    %dma_start3A_84 = tpu.memref_slice %arg2[%add3A_80, %dma_start3A_83] : memref<8192x1024xf32, #tpu.memory_space<hbm>> -> memref<32x1024xf32, #tpu.memory_space<hbm>>
    tpu.enqueue_dma source(%dma_start3A_84 : memref<32x1024xf32, #tpu.memory_space<hbm>>) target(%arg6 : memref<32x1024xf32, #tpu.memory_space<vmem>>) target_semaphore(%arg8 : memref<!tpu.dma_semaphore, #tpu.memory_space<semaphore_mem>>)
    %dma_wait3A_85 = arith.constant 0 : i32
    %dma_wait3A_86 = tpu.memref_slice %arg2[%add3A_56, %dma_wait3A_85] : memref<8192x1024xf32, #tpu.memory_space<hbm>> -> memref<32x1024xf32, #tpu.memory_space<hbm>>
    %dma_wait3A_87 = arith.constant 0 : i32
    %dma_wait3A_88 = tpu.memref_slice %arg2[%add3A_56, %dma_wait3A_87] : memref<8192x1024xf32, #tpu.memory_space<hbm>> -> memref<32x1024xf32, #tpu.memory_space<hbm>>
    tpu.wait_dma2 semaphore(%arg9 : memref<!tpu.dma_semaphore, #tpu.memory_space<semaphore_mem>>) src(%dma_wait3A_88 : memref<32x1024xf32, #tpu.memory_space<hbm>>) dst(%arg7 : memref<32x1024xf32, #tpu.memory_space<vmem>>)
    %dma_start3A_89 = arith.constant 3 : i32
    %dma_start3A_90 = arith.constant 0 : i32
    %dma_start3A_91 = tpu.memref_slice %arg5[%dma_start3A_89, %dma_start3A_90] : memref<8x32xi32, #tpu.memory_space<vmem>> -> memref<1x32xi32, #tpu.memory_space<vmem>>
    %dma_start3A_92 = tpu.memref_squeeze %dma_start3A_91 : memref<1x32xi32, #tpu.memory_space<vmem>> -> memref<32xi32, #tpu.memory_space<vmem>>
    %dma_start3A_93 = arith.constant 0 : i32
    %dma_start3A_94 = arith.constant 0 : i32
    %dma_start3A_95 = tpu.memref_slice %arg4[%dma_start3A_93, %dma_start3A_94] : memref<8192x1024xf32, #tpu.memory_space<hbm>> -> memref<8192x1024xf32, #tpu.memory_space<hbm>>
    tpu.enqueue_indirect_dma source(%arg7 : memref<32x1024xf32, #tpu.memory_space<vmem>>) target(%dma_start3A_95 : memref<8192x1024xf32, #tpu.memory_space<hbm>>) offsets(%dma_start3A_92 : memref<32xi32, #tpu.memory_space<vmem>>) semaphore(%arg11 : memref<!tpu.dma_semaphore, #tpu.memory_space<semaphore_mem>>)
    %dma_wait3A_96 = arith.constant 3 : i32
    %dma_wait3A_97 = arith.constant 0 : i32
    %dma_wait3A_98 = tpu.memref_slice %arg5[%dma_wait3A_96, %dma_wait3A_97] : memref<8x32xi32, #tpu.memory_space<vmem>> -> memref<1x32xi32, #tpu.memory_space<vmem>>
    %dma_wait3A_99 = tpu.memref_squeeze %dma_wait3A_98 : memref<1x32xi32, #tpu.memory_space<vmem>> -> memref<32xi32, #tpu.memory_space<vmem>>
    %dma_wait3A_100 = arith.constant 0 : i32
    %dma_wait3A_101 = arith.constant 0 : i32
    %dma_wait3A_102 = tpu.memref_slice %arg4[%dma_wait3A_100, %dma_wait3A_101] : memref<8192x1024xf32, #tpu.memory_space<hbm>> -> memref<8192x1024xf32, #tpu.memory_space<hbm>>
    tpu.wait_indirect_dma semaphore(%arg11 : memref<!tpu.dma_semaphore, #tpu.memory_space<semaphore_mem>>) src(%arg7 : memref<32x1024xf32, #tpu.memory_space<vmem>>) dst(%dma_wait3A_102 : memref<8192x1024xf32, #tpu.memory_space<hbm>>)
    %add3A_103 = arith.constant 160 : i32
    %add3A_104 = arith.addi %mul3A_2, %add3A_103 : i32
    %dma_start3A_105 = arith.constant 0 : i32
    %dma_start3A_106 = tpu.memref_slice %arg2[%add3A_104, %dma_start3A_105] : memref<8192x1024xf32, #tpu.memory_space<hbm>> -> memref<32x1024xf32, #tpu.memory_space<hbm>>
    %dma_start3A_107 = arith.constant 0 : i32
    %dma_start3A_108 = tpu.memref_slice %arg2[%add3A_104, %dma_start3A_107] : memref<8192x1024xf32, #tpu.memory_space<hbm>> -> memref<32x1024xf32, #tpu.memory_space<hbm>>
    tpu.enqueue_dma source(%dma_start3A_108 : memref<32x1024xf32, #tpu.memory_space<hbm>>) target(%arg7 : memref<32x1024xf32, #tpu.memory_space<vmem>>) target_semaphore(%arg9 : memref<!tpu.dma_semaphore, #tpu.memory_space<semaphore_mem>>)
    %dma_wait3A_109 = arith.constant 0 : i32
    %dma_wait3A_110 = tpu.memref_slice %arg2[%add3A_80, %dma_wait3A_109] : memref<8192x1024xf32, #tpu.memory_space<hbm>> -> memref<32x1024xf32, #tpu.memory_space<hbm>>
    %dma_wait3A_111 = arith.constant 0 : i32
    %dma_wait3A_112 = tpu.memref_slice %arg2[%add3A_80, %dma_wait3A_111] : memref<8192x1024xf32, #tpu.memory_space<hbm>> -> memref<32x1024xf32, #tpu.memory_space<hbm>>
    tpu.wait_dma2 semaphore(%arg8 : memref<!tpu.dma_semaphore, #tpu.memory_space<semaphore_mem>>) src(%dma_wait3A_112 : memref<32x1024xf32, #tpu.memory_space<hbm>>) dst(%arg6 : memref<32x1024xf32, #tpu.memory_space<vmem>>)
    %dma_start3A_113 = arith.constant 4 : i32
    %dma_start3A_114 = arith.constant 0 : i32
    %dma_start3A_115 = tpu.memref_slice %arg5[%dma_start3A_113, %dma_start3A_114] : memref<8x32xi32, #tpu.memory_space<vmem>> -> memref<1x32xi32, #tpu.memory_space<vmem>>
    %dma_start3A_116 = tpu.memref_squeeze %dma_start3A_115 : memref<1x32xi32, #tpu.memory_space<vmem>> -> memref<32xi32, #tpu.memory_space<vmem>>
    %dma_start3A_117 = arith.constant 0 : i32
    %dma_start3A_118 = arith.constant 0 : i32
    %dma_start3A_119 = tpu.memref_slice %arg4[%dma_start3A_117, %dma_start3A_118] : memref<8192x1024xf32, #tpu.memory_space<hbm>> -> memref<8192x1024xf32, #tpu.memory_space<hbm>>
    tpu.enqueue_indirect_dma source(%arg6 : memref<32x1024xf32, #tpu.memory_space<vmem>>) target(%dma_start3A_119 : memref<8192x1024xf32, #tpu.memory_space<hbm>>) offsets(%dma_start3A_116 : memref<32xi32, #tpu.memory_space<vmem>>) semaphore(%arg10 : memref<!tpu.dma_semaphore, #tpu.memory_space<semaphore_mem>>)
    %dma_wait3A_120 = arith.constant 4 : i32
    %dma_wait3A_121 = arith.constant 0 : i32
    %dma_wait3A_122 = tpu.memref_slice %arg5[%dma_wait3A_120, %dma_wait3A_121] : memref<8x32xi32, #tpu.memory_space<vmem>> -> memref<1x32xi32, #tpu.memory_space<vmem>>
    %dma_wait3A_123 = tpu.memref_squeeze %dma_wait3A_122 : memref<1x32xi32, #tpu.memory_space<vmem>> -> memref<32xi32, #tpu.memory_space<vmem>>
    %dma_wait3A_124 = arith.constant 0 : i32
    %dma_wait3A_125 = arith.constant 0 : i32
    %dma_wait3A_126 = tpu.memref_slice %arg4[%dma_wait3A_124, %dma_wait3A_125] : memref<8192x1024xf32, #tpu.memory_space<hbm>> -> memref<8192x1024xf32, #tpu.memory_space<hbm>>
    tpu.wait_indirect_dma semaphore(%arg10 : memref<!tpu.dma_semaphore, #tpu.memory_space<semaphore_mem>>) src(%arg6 : memref<32x1024xf32, #tpu.memory_space<vmem>>) dst(%dma_wait3A_126 : memref<8192x1024xf32, #tpu.memory_space<hbm>>)
    %add3A_127 = arith.constant 192 : i32
    %add3A_128 = arith.addi %mul3A_2, %add3A_127 : i32
    %dma_start3A_129 = arith.constant 0 : i32
    %dma_start3A_130 = tpu.memref_slice %arg2[%add3A_128, %dma_start3A_129] : memref<8192x1024xf32, #tpu.memory_space<hbm>> -> memref<32x1024xf32, #tpu.memory_space<hbm>>
    %dma_start3A_131 = arith.constant 0 : i32
    %dma_start3A_132 = tpu.memref_slice %arg2[%add3A_128, %dma_start3A_131] : memref<8192x1024xf32, #tpu.memory_space<hbm>> -> memref<32x1024xf32, #tpu.memory_space<hbm>>
    tpu.enqueue_dma source(%dma_start3A_132 : memref<32x1024xf32, #tpu.memory_space<hbm>>) target(%arg6 : memref<32x1024xf32, #tpu.memory_space<vmem>>) target_semaphore(%arg8 : memref<!tpu.dma_semaphore, #tpu.memory_space<semaphore_mem>>)
    %dma_wait3A_133 = arith.constant 0 : i32
    %dma_wait3A_134 = tpu.memref_slice %arg2[%add3A_104, %dma_wait3A_133] : memref<8192x1024xf32, #tpu.memory_space<hbm>> -> memref<32x1024xf32, #tpu.memory_space<hbm>>
    %dma_wait3A_135 = arith.constant 0 : i32
    %dma_wait3A_136 = tpu.memref_slice %arg2[%add3A_104, %dma_wait3A_135] : memref<8192x1024xf32, #tpu.memory_space<hbm>> -> memref<32x1024xf32, #tpu.memory_space<hbm>>
    tpu.wait_dma2 semaphore(%arg9 : memref<!tpu.dma_semaphore, #tpu.memory_space<semaphore_mem>>) src(%dma_wait3A_136 : memref<32x1024xf32, #tpu.memory_space<hbm>>) dst(%arg7 : memref<32x1024xf32, #tpu.memory_space<vmem>>)
    %dma_start3A_137 = arith.constant 5 : i32
    %dma_start3A_138 = arith.constant 0 : i32
    %dma_start3A_139 = tpu.memref_slice %arg5[%dma_start3A_137, %dma_start3A_138] : memref<8x32xi32, #tpu.memory_space<vmem>> -> memref<1x32xi32, #tpu.memory_space<vmem>>
    %dma_start3A_140 = tpu.memref_squeeze %dma_start3A_139 : memref<1x32xi32, #tpu.memory_space<vmem>> -> memref<32xi32, #tpu.memory_space<vmem>>
    %dma_start3A_141 = arith.constant 0 : i32
    %dma_start3A_142 = arith.constant 0 : i32
    %dma_start3A_143 = tpu.memref_slice %arg4[%dma_start3A_141, %dma_start3A_142] : memref<8192x1024xf32, #tpu.memory_space<hbm>> -> memref<8192x1024xf32, #tpu.memory_space<hbm>>
    tpu.enqueue_indirect_dma source(%arg7 : memref<32x1024xf32, #tpu.memory_space<vmem>>) target(%dma_start3A_143 : memref<8192x1024xf32, #tpu.memory_space<hbm>>) offsets(%dma_start3A_140 : memref<32xi32, #tpu.memory_space<vmem>>) semaphore(%arg11 : memref<!tpu.dma_semaphore, #tpu.memory_space<semaphore_mem>>)
    %dma_wait3A_144 = arith.constant 5 : i32
    %dma_wait3A_145 = arith.constant 0 : i32
    %dma_wait3A_146 = tpu.memref_slice %arg5[%dma_wait3A_144, %dma_wait3A_145] : memref<8x32xi32, #tpu.memory_space<vmem>> -> memref<1x32xi32, #tpu.memory_space<vmem>>
    %dma_wait3A_147 = tpu.memref_squeeze %dma_wait3A_146 : memref<1x32xi32, #tpu.memory_space<vmem>> -> memref<32xi32, #tpu.memory_space<vmem>>
    %dma_wait3A_148 = arith.constant 0 : i32
    %dma_wait3A_149 = arith.constant 0 : i32
    %dma_wait3A_150 = tpu.memref_slice %arg4[%dma_wait3A_148, %dma_wait3A_149] : memref<8192x1024xf32, #tpu.memory_space<hbm>> -> memref<8192x1024xf32, #tpu.memory_space<hbm>>
    tpu.wait_indirect_dma semaphore(%arg11 : memref<!tpu.dma_semaphore, #tpu.memory_space<semaphore_mem>>) src(%arg7 : memref<32x1024xf32, #tpu.memory_space<vmem>>) dst(%dma_wait3A_150 : memref<8192x1024xf32, #tpu.memory_space<hbm>>)
    %add3A_151 = arith.constant 224 : i32
    %add3A_152 = arith.addi %mul3A_2, %add3A_151 : i32
    %dma_start3A_153 = arith.constant 0 : i32
    %dma_start3A_154 = tpu.memref_slice %arg2[%add3A_152, %dma_start3A_153] : memref<8192x1024xf32, #tpu.memory_space<hbm>> -> memref<32x1024xf32, #tpu.memory_space<hbm>>
    %dma_start3A_155 = arith.constant 0 : i32
    %dma_start3A_156 = tpu.memref_slice %arg2[%add3A_152, %dma_start3A_155] : memref<8192x1024xf32, #tpu.memory_space<hbm>> -> memref<32x1024xf32, #tpu.memory_space<hbm>>
    tpu.enqueue_dma source(%dma_start3A_156 : memref<32x1024xf32, #tpu.memory_space<hbm>>) target(%arg7 : memref<32x1024xf32, #tpu.memory_space<vmem>>) target_semaphore(%arg9 : memref<!tpu.dma_semaphore, #tpu.memory_space<semaphore_mem>>)
    %dma_wait3A_157 = arith.constant 0 : i32
    %dma_wait3A_158 = tpu.memref_slice %arg2[%add3A_128, %dma_wait3A_157] : memref<8192x1024xf32, #tpu.memory_space<hbm>> -> memref<32x1024xf32, #tpu.memory_space<hbm>>
    %dma_wait3A_159 = arith.constant 0 : i32
    %dma_wait3A_160 = tpu.memref_slice %arg2[%add3A_128, %dma_wait3A_159] : memref<8192x1024xf32, #tpu.memory_space<hbm>> -> memref<32x1024xf32, #tpu.memory_space<hbm>>
    tpu.wait_dma2 semaphore(%arg8 : memref<!tpu.dma_semaphore, #tpu.memory_space<semaphore_mem>>) src(%dma_wait3A_160 : memref<32x1024xf32, #tpu.memory_space<hbm>>) dst(%arg6 : memref<32x1024xf32, #tpu.memory_space<vmem>>)
    %dma_start3A_161 = arith.constant 6 : i32
    %dma_start3A_162 = arith.constant 0 : i32
    %dma_start3A_163 = tpu.memref_slice %arg5[%dma_start3A_161, %dma_start3A_162] : memref<8x32xi32, #tpu.memory_space<vmem>> -> memref<1x32xi32, #tpu.memory_space<vmem>>
    %dma_start3A_164 = tpu.memref_squeeze %dma_start3A_163 : memref<1x32xi32, #tpu.memory_space<vmem>> -> memref<32xi32, #tpu.memory_space<vmem>>
    %dma_start3A_165 = arith.constant 0 : i32
    %dma_start3A_166 = arith.constant 0 : i32
    %dma_start3A_167 = tpu.memref_slice %arg4[%dma_start3A_165, %dma_start3A_166] : memref<8192x1024xf32, #tpu.memory_space<hbm>> -> memref<8192x1024xf32, #tpu.memory_space<hbm>>
    tpu.enqueue_indirect_dma source(%arg6 : memref<32x1024xf32, #tpu.memory_space<vmem>>) target(%dma_start3A_167 : memref<8192x1024xf32, #tpu.memory_space<hbm>>) offsets(%dma_start3A_164 : memref<32xi32, #tpu.memory_space<vmem>>) semaphore(%arg10 : memref<!tpu.dma_semaphore, #tpu.memory_space<semaphore_mem>>)
    %dma_wait3A_168 = arith.constant 0 : i32
    %dma_wait3A_169 = tpu.memref_slice %arg2[%add3A_152, %dma_wait3A_168] : memref<8192x1024xf32, #tpu.memory_space<hbm>> -> memref<32x1024xf32, #tpu.memory_space<hbm>>
    %dma_wait3A_170 = arith.constant 0 : i32
    %dma_wait3A_171 = tpu.memref_slice %arg2[%add3A_152, %dma_wait3A_170] : memref<8192x1024xf32, #tpu.memory_space<hbm>> -> memref<32x1024xf32, #tpu.memory_space<hbm>>
    tpu.wait_dma2 semaphore(%arg9 : memref<!tpu.dma_semaphore, #tpu.memory_space<semaphore_mem>>) src(%dma_wait3A_171 : memref<32x1024xf32, #tpu.memory_space<hbm>>) dst(%arg7 : memref<32x1024xf32, #tpu.memory_space<vmem>>)
    %dma_start3A_172 = arith.constant 7 : i32
    %dma_start3A_173 = arith.constant 0 : i32
    %dma_start3A_174 = tpu.memref_slice %arg5[%dma_start3A_172, %dma_start3A_173] : memref<8x32xi32, #tpu.memory_space<vmem>> -> memref<1x32xi32, #tpu.memory_space<vmem>>
    %dma_start3A_175 = tpu.memref_squeeze %dma_start3A_174 : memref<1x32xi32, #tpu.memory_space<vmem>> -> memref<32xi32, #tpu.memory_space<vmem>>
    %dma_start3A_176 = arith.constant 0 : i32
    %dma_start3A_177 = arith.constant 0 : i32
    %dma_start3A_178 = tpu.memref_slice %arg4[%dma_start3A_176, %dma_start3A_177] : memref<8192x1024xf32, #tpu.memory_space<hbm>> -> memref<8192x1024xf32, #tpu.memory_space<hbm>>
    tpu.enqueue_indirect_dma source(%arg7 : memref<32x1024xf32, #tpu.memory_space<vmem>>) target(%dma_start3A_178 : memref<8192x1024xf32, #tpu.memory_space<hbm>>) offsets(%dma_start3A_175 : memref<32xi32, #tpu.memory_space<vmem>>) semaphore(%arg11 : memref<!tpu.dma_semaphore, #tpu.memory_space<semaphore_mem>>)
    %dma_wait3A_179 = arith.constant 6 : i32
    %dma_wait3A_180 = arith.constant 0 : i32
    %dma_wait3A_181 = tpu.memref_slice %arg5[%dma_wait3A_179, %dma_wait3A_180] : memref<8x32xi32, #tpu.memory_space<vmem>> -> memref<1x32xi32, #tpu.memory_space<vmem>>
    %dma_wait3A_182 = tpu.memref_squeeze %dma_wait3A_181 : memref<1x32xi32, #tpu.memory_space<vmem>> -> memref<32xi32, #tpu.memory_space<vmem>>
    %dma_wait3A_183 = arith.constant 0 : i32
    %dma_wait3A_184 = arith.constant 0 : i32
    %dma_wait3A_185 = tpu.memref_slice %arg4[%dma_wait3A_183, %dma_wait3A_184] : memref<8192x1024xf32, #tpu.memory_space<hbm>> -> memref<8192x1024xf32, #tpu.memory_space<hbm>>
    tpu.wait_indirect_dma semaphore(%arg10 : memref<!tpu.dma_semaphore, #tpu.memory_space<semaphore_mem>>) src(%arg6 : memref<32x1024xf32, #tpu.memory_space<vmem>>) dst(%dma_wait3A_185 : memref<8192x1024xf32, #tpu.memory_space<hbm>>)
    %dma_wait3A_186 = arith.constant 7 : i32
    %dma_wait3A_187 = arith.constant 0 : i32
    %dma_wait3A_188 = tpu.memref_slice %arg5[%dma_wait3A_186, %dma_wait3A_187] : memref<8x32xi32, #tpu.memory_space<vmem>> -> memref<1x32xi32, #tpu.memory_space<vmem>>
    %dma_wait3A_189 = tpu.memref_squeeze %dma_wait3A_188 : memref<1x32xi32, #tpu.memory_space<vmem>> -> memref<32xi32, #tpu.memory_space<vmem>>
    %dma_wait3A_190 = arith.constant 0 : i32
    %dma_wait3A_191 = arith.constant 0 : i32
    %dma_wait3A_192 = tpu.memref_slice %arg4[%dma_wait3A_190, %dma_wait3A_191] : memref<8192x1024xf32, #tpu.memory_space<hbm>> -> memref<8192x1024xf32, #tpu.memory_space<hbm>>
    tpu.wait_indirect_dma semaphore(%arg11 : memref<!tpu.dma_semaphore, #tpu.memory_space<semaphore_mem>>) src(%arg7 : memref<32x1024xf32, #tpu.memory_space<vmem>>) dst(%dma_wait3A_192 : memref<8192x1024xf32, #tpu.memory_space<hbm>>)
    return
  }
}

#map = affine_map<(d0, d1) -> (0, 0)>
#map1 = affine_map<(d0, d1) -> (0)>
module attributes {stable_mosaic.version = 14 : i64} {
  func.func @body(%arg0: i32, %arg1: i32, %arg2: memref<8192x256xf32, #tpu.memory_space<hbm>>, %arg3: memref<8192xi32, #tpu.memory_space<hbm>>, %arg4: memref<8192x256xf32, #tpu.memory_space<hbm>>, %arg5: memref<256xi32, #tpu.memory_space<vmem>>, %arg6: memref<256x256xf32, #tpu.memory_space<vmem>>, %arg7: memref<!tpu.dma_semaphore, #tpu.memory_space<semaphore_mem>>) attributes {dimension_semantics = [#tpu.dimension_semantics<core_parallel>, #tpu.dimension_semantics<subcore_parallel>], iteration_bounds = array<i64: 2, 16>, scalar_prefetch = 0 : i64, scratch_operands = 3 : i64, tpu.core_type = #tpu.core_type<sc_vector_subcore>, window_params = [{transform_indices = #map}, {transform_indices = #map1}, {transform_indices = #map}]} {
    %mul3A = arith.constant 2 : i32
    %mul3A_0 = arith.muli %arg1, %mul3A : i32
    %add3A = arith.addi %mul3A_0, %arg0 : i32
    %mul3A_1 = arith.constant 256 : i32
    %mul3A_2 = arith.muli %add3A, %mul3A_1 : i32
    %add3A_3 = arith.constant 0 : i32
    %add3A_4 = arith.addi %mul3A_2, %add3A_3 : i32
    "tpu.region"() ({
      %run_scoped3A = tpu.sem_alloc : memref<!tpu.dma_semaphore, #tpu.memory_space<semaphore_mem>>
      %dma_start3A_9 = tpu.memref_slice %arg3[%add3A_4] : memref<8192xi32, #tpu.memory_space<hbm>> -> memref<256xi32, #tpu.memory_space<hbm>>
      %dma_start3A_10 = tpu.memref_slice %arg3[%add3A_4] : memref<8192xi32, #tpu.memory_space<hbm>> -> memref<256xi32, #tpu.memory_space<hbm>>
      tpu.enqueue_dma source(%dma_start3A_10 : memref<256xi32, #tpu.memory_space<hbm>>) target(%arg5 : memref<256xi32, #tpu.memory_space<vmem>>) target_semaphore(%run_scoped3A : memref<!tpu.dma_semaphore, #tpu.memory_space<semaphore_mem>>)
      %dma_wait3A_11 = tpu.memref_slice %arg3[%add3A_4] : memref<8192xi32, #tpu.memory_space<hbm>> -> memref<256xi32, #tpu.memory_space<hbm>>
      %dma_wait3A_12 = tpu.memref_slice %arg3[%add3A_4] : memref<8192xi32, #tpu.memory_space<hbm>> -> memref<256xi32, #tpu.memory_space<hbm>>
      tpu.wait_dma2 semaphore(%run_scoped3A : memref<!tpu.dma_semaphore, #tpu.memory_space<semaphore_mem>>) src(%dma_wait3A_12 : memref<256xi32, #tpu.memory_space<hbm>>) dst(%arg5 : memref<256xi32, #tpu.memory_space<vmem>>)
      tpu.yield
    }) : () -> ()
    %dma_start3A = arith.constant 0 : i32
    %dma_start3A_5 = arith.constant 0 : i32
    %dma_start3A_6 = tpu.memref_slice %arg2[%dma_start3A, %dma_start3A_5] : memref<8192x256xf32, #tpu.memory_space<hbm>> -> memref<8192x256xf32, #tpu.memory_space<hbm>>
    tpu.enqueue_indirect_dma source(%dma_start3A_6 : memref<8192x256xf32, #tpu.memory_space<hbm>>) target(%arg6 : memref<256x256xf32, #tpu.memory_space<vmem>>) offsets(%arg5 : memref<256xi32, #tpu.memory_space<vmem>>) semaphore(%arg7 : memref<!tpu.dma_semaphore, #tpu.memory_space<semaphore_mem>>)
    %dma_wait3A = arith.constant 0 : i32
    %dma_wait3A_7 = arith.constant 0 : i32
    %dma_wait3A_8 = tpu.memref_slice %arg2[%dma_wait3A, %dma_wait3A_7] : memref<8192x256xf32, #tpu.memory_space<hbm>> -> memref<8192x256xf32, #tpu.memory_space<hbm>>
    tpu.wait_indirect_dma semaphore(%arg7 : memref<!tpu.dma_semaphore, #tpu.memory_space<semaphore_mem>>) src(%dma_wait3A_8 : memref<8192x256xf32, #tpu.memory_space<hbm>>) dst(%arg6 : memref<256x256xf32, #tpu.memory_space<vmem>>)
    "tpu.region"() ({
      %run_scoped3A = tpu.sem_alloc : memref<!tpu.dma_semaphore, #tpu.memory_space<semaphore_mem>>
      %dma_start3A_9 = arith.constant 0 : i32
      %dma_start3A_10 = tpu.memref_slice %arg4[%add3A_4, %dma_start3A_9] : memref<8192x256xf32, #tpu.memory_space<hbm>> -> memref<256x256xf32, #tpu.memory_space<hbm>>
      %dma_start3A_11 = arith.constant 0 : i32
      %dma_start3A_12 = tpu.memref_slice %arg4[%add3A_4, %dma_start3A_11] : memref<8192x256xf32, #tpu.memory_space<hbm>> -> memref<256x256xf32, #tpu.memory_space<hbm>>
      tpu.enqueue_dma source(%arg6 : memref<256x256xf32, #tpu.memory_space<vmem>>) target(%dma_start3A_12 : memref<256x256xf32, #tpu.memory_space<hbm>>) target_semaphore(%run_scoped3A : memref<!tpu.dma_semaphore, #tpu.memory_space<semaphore_mem>>)
      %dma_wait3A_13 = arith.constant 0 : i32
      %dma_wait3A_14 = tpu.memref_slice %arg4[%add3A_4, %dma_wait3A_13] : memref<8192x256xf32, #tpu.memory_space<hbm>> -> memref<256x256xf32, #tpu.memory_space<hbm>>
      %dma_wait3A_15 = arith.constant 0 : i32
      %dma_wait3A_16 = tpu.memref_slice %arg4[%add3A_4, %dma_wait3A_15] : memref<8192x256xf32, #tpu.memory_space<hbm>> -> memref<256x256xf32, #tpu.memory_space<hbm>>
      tpu.wait_dma2 semaphore(%run_scoped3A : memref<!tpu.dma_semaphore, #tpu.memory_space<semaphore_mem>>) src(%arg6 : memref<256x256xf32, #tpu.memory_space<vmem>>) dst(%dma_wait3A_16 : memref<256x256xf32, #tpu.memory_space<hbm>>)
      tpu.yield
    }) : () -> ()
    return
  }
}

module attributes {stable_mosaic.version = 14 : i64} {
  func.func @_gmm_body(%arg0: i32, %arg1: memref<47xi32, #tpu.memory_space<smem>>, %arg2: memref<47xi32, #tpu.memory_space<smem>>, %arg3: memref<47xi32, #tpu.memory_space<smem>>, %arg4: memref<47xi32, #tpu.memory_space<smem>>, %arg5: memref<256x1024xf32, #tpu.memory_space<vmem>>, %arg6: memref<1x1024x256xf32, #tpu.memory_space<vmem>>, %arg7: memref<256x256xf32, #tpu.memory_space<vmem>>) attributes {dimension_semantics = [#tpu.dimension_semantics<arbitrary>], iteration_bounds = array<i64: 47>, scalar_prefetch = 4 : i64, scratch_operands = 0 : i64, tpu.core_type = #tpu.core_type<tc>, window_params = [{transform_indices = @transform_0, window_bounds = array<i64: 256, 1024>}, {transform_indices = @transform_1, window_bounds = array<i64: 1, 1024, 256>}, {transform_indices = @transform_2, window_bounds = array<i64: 256, 256>}]} {
    %iota3A = tpu.iota {dimensions = array<i32: 0>} : vector<256x1xi32>
    %get3A = arith.index_cast %arg0 : i32 to index
    %get3A_0 = memref.load %arg3[%get3A] : memref<47xi32, #tpu.memory_space<smem>>
    %ge3A = vector.broadcast %get3A_0 : i32 to vector<256x1xi32>
    %ge3A_1 = arith.cmpi sge, %iota3A, %ge3A : vector<256x1xi32>
    %get3A_2 = arith.index_cast %arg0 : i32 to index
    %get3A_3 = memref.load %arg4[%get3A_2] : memref<47xi32, #tpu.memory_space<smem>>
    %lt3A = vector.broadcast %get3A_3 : i32 to vector<256x1xi32>
    %lt3A_4 = arith.cmpi slt, %iota3A, %lt3A : vector<256x1xi32>
    %and3A = arith.andi %ge3A_1, %lt3A_4 : vector<256x1xi1>
    %get3A_5 = arith.constant 0 : index
    %get3A_6 = arith.constant 0 : index
    %get3A_7 = vector.load %arg5[%get3A_5, %get3A_6] : memref<256x1024xf32, #tpu.memory_space<vmem>>, vector<256x1024xf32>
    %get3A_8 = arith.constant 0 : index
    %get3A_9 = arith.constant 0 : index
    %get3A_10 = arith.constant 0 : index
    %get3A_11 = vector.load %arg6[%get3A_8, %get3A_9, %get3A_10] : memref<1x1024x256xf32, #tpu.memory_space<vmem>>, vector<1x1024x256xf32>
    %get3A_12 = vector.shape_cast %get3A_11 : vector<1x1024x256xf32> to vector<1024x256xf32>
    %dot_general3A = arith.constant dense<0.000000e+00> : vector<256x256xf32>
    %dot_general3A_13 = tpu.matmul %get3A_7, %get3A_12, %dot_general3A {dimension_numbers = #tpu.dot_dimension_numbers<[1], [0], [0], [1], [0, 0, 1, 1], [], []>, transpose_lhs_hint = false} : vector<256x1024xf32>, vector<1024x256xf32>, vector<256x256xf32> -> vector<256x256xf32>
    %get3A_14 = arith.constant 0 : index
    %get3A_15 = arith.constant 0 : index
    %get3A_16 = vector.load %arg7[%get3A_14, %get3A_15] : memref<256x256xf32, #tpu.memory_space<vmem>>, vector<256x256xf32>
    %broadcast_in_dim3A = vector.shape_cast %and3A : vector<256x1xi1> to vector<256x1xi1>
    %broadcast_in_dim3A_17 = vector.broadcast %broadcast_in_dim3A : vector<256x1xi1> to vector<256x256xi1>
    %select_n3A = arith.select %broadcast_in_dim3A_17, %dot_general3A_13, %get3A_16 : vector<256x256xi1>, vector<256x256xf32>
    %swap3A = arith.constant 0 : index
    %swap3A_18 = arith.constant 0 : index
    %swap3A_19 = vector.load %arg7[%swap3A, %swap3A_18] : memref<256x256xf32, #tpu.memory_space<vmem>>, vector<256x256xf32>
    tpu.vector_store %arg7[%swap3A, %swap3A_18], %select_n3A {strides = array<i32>} : memref<256x256xf32, #tpu.memory_space<vmem>>, vector<256x256xf32>,
    return
  }
  func.func @transform_0(%arg0: i32, %arg1: memref<47xi32, #tpu.memory_space<smem>>, %arg2: memref<47xi32, #tpu.memory_space<smem>>, %arg3: memref<47xi32, #tpu.memory_space<smem>>, %arg4: memref<47xi32, #tpu.memory_space<smem>>) -> (i32, i32) {
    %get3A = arith.index_cast %arg0 : i32 to index
    %get3A_0 = memref.load %arg2[%get3A] : memref<47xi32, #tpu.memory_space<smem>>
    %c0_i32 = arith.constant 0 : i32
    %c0_i32_1 = arith.constant 0 : i32
    return %get3A_0, %c0_i32 : i32, i32
  }
  func.func @transform_1(%arg0: i32, %arg1: memref<47xi32, #tpu.memory_space<smem>>, %arg2: memref<47xi32, #tpu.memory_space<smem>>, %arg3: memref<47xi32, #tpu.memory_space<smem>>, %arg4: memref<47xi32, #tpu.memory_space<smem>>) -> (i32, i32, i32) {
    %get3A = arith.index_cast %arg0 : i32 to index
    %get3A_0 = memref.load %arg1[%get3A] : memref<47xi32, #tpu.memory_space<smem>>
    %c0_i32 = arith.constant 0 : i32
    %c0_i32_1 = arith.constant 0 : i32
    %c0_i32_2 = arith.constant 0 : i32
    return %get3A_0, %c0_i32, %c0_i32_1 : i32, i32, i32
  }
  func.func @transform_2(%arg0: i32, %arg1: memref<47xi32, #tpu.memory_space<smem>>, %arg2: memref<47xi32, #tpu.memory_space<smem>>, %arg3: memref<47xi32, #tpu.memory_space<smem>>, %arg4: memref<47xi32, #tpu.memory_space<smem>>) -> (i32, i32) {
    %get3A = arith.index_cast %arg0 : i32 to index
    %get3A_0 = memref.load %arg2[%get3A] : memref<47xi32, #tpu.memory_space<smem>>
    %c0_i32 = arith.constant 0 : i32
    %c0_i32_1 = arith.constant 0 : i32
    return %get3A_0, %c0_i32 : i32, i32
  }
}

</mosaic_0001>

<sc_bundles>
// kernel: kernel.5.cloned.1.call-start
scs
__scs_entry_jumppad:
0x0: {  	(pc) =	sbr.rel $0x88, $3  }
0x1: {  	(tag) =	ssettag $0x0;
	lr =	simm.s32 $0x1  }
0x2: {  	[smem:$0x3F9E] =	sst lr;
	_ =	strace $0xD0000000  }
0x3: {  	_ = 	snop  }
0x4: {  	_ = 	snop  }
0x5: {  	_ = 	snop  }
0x6: {  	_ = 	snop  }
0x7: {  	_ = 	snop  }
__scs_overlays_trampoline_lowered:
0x8: {  	[smem:$0x3FAD] =	sst s0  }
0x9: {  	[smem:$0x3FAE] =	sst s1  }
0xa: {  	[smem:$0x3FAF] =	sst s2  }
0xb: {  	[smem:$0x3FB0] =	sst s3  }
0xc: {  	[smem:$0x3FB1] =	sst s4  }
0xd: {  	[smem:$0x3FB2] =	sst s5  }
0xe: {  	[smem:$0x3FB3] =	sst s6  }
0xf: {  	[smem:$0x3FB4] =	sst s7  }
0x10: {  	[smem:$0x3FB5] =	sst s8  }
0x11: {  	[smem:$0x3FB6] =	sst s9;
	s0 =	simm.s32 @!p0 $0x0  }
0x12: {  	s1 =	sld [smem:$0x3F9C];
	s0 =	simm.s32 @p0 $0x1  }
0x13: {  	[smem:$0x3FB7] =	sst s0;
	s0 =	simm.s32 @!p1 $0x0  }
0x14: {  	s2 =	sld [smem:$0x3F9B];
	s0 =	simm.s32 @p1 $0x1  }
0x15: {  	[smem:$0x3FB8] =	sst s0;
	s0 =	simm.s32 @!p2 $0x0  }
0x16: {  	s3 =	sld [smem:$0x3FDB];
	s0 =	simm.s32 @p2 $0x1  }
0x17: {  	s4 =	simm.s32 $0x1BF5;
	[smem:$0x3FBA] =	sst s0  }
0x18: {  	s0 =	sld [smem:$0x3F9D];
	_ =	swait.ge [sflag:s4], $0x0  }
0x19: {  	s7 =	sld [smem:$0x3F9E]  }
0x1a: {  	s8 =	sadd.s32 $0xFFFFE003, lr  }
0x1b: {  	s9 =	sadd.s32 $0xFFFFFEF7, lr;
	s5 =	simm.s32 $0xFFFFFFFF;
	p2 =	slt.u32 s8, $0xFFFFF086  }
0x1c: {  	p1 =	slt.u32 s9, $0xF7A;
	s5 =	simm.s32 @!p2 $0x0  }
0x1d: {  	s5 =	simm.s32 @p1 $0x1;
	p0 =	seq.s32 s7, s2  }
0x1e: {  	s7 =	smul.u32 @!p0 $0xF7A, s2;
	p2 =	seq.s32 @!p0 s5, $0x0  }
0x1f: {  	s9 =	smul.u32 $0xF7A, s1;
	s8 =	simm.s32 @!p0 $0x1BF5;
	p2 =	por !p2, p0  }
0x20: {  	[sflag:s8] =	ssyncset.s32 @!p0 $0xFFFFF086;
	s6 =	sadd.s32 @!p0 s3, s7;
	s7 =	simm.s32 @!p0 $0x108  }
0x21: {  	s3 =	sadd.s32 s3, s9;
	s6 =	sadd.s32 @!p0 $0x88, s6;
	s7 =	simm.s32 @p2 $0x1082  }
0x22: {  	[simem:s7], [sflag:s8] =	dma.local @!p0 [hbm:s6], $0xF7A  }
0x23: {  	s9 =	sor.u32 $0xD0000000, s2;
	s6 =	simm.s32 $0x108;
	_ =	swait.ge @!p0 [sflag:s8], $0x0  }
0x24: {  	s3 =	sadd.s32 $0x88, s3;
	s6 =	simm.s32 @!p1 $0x1082;
	[sflag:s4] =	ssyncset.s32 $0xFFFFF086  }
0x25: {  	[simem:s6], [sflag:s4] =	dma.local [hbm:s3], $0xF7A  }
0x26: {  	[smem:$0x3F9E] =	sst s1;
	(tag) =	ssettag s2;
	_ =	strace s9  }
0x27: {  	s1 =	sld [smem:$0x3FAE]  }
0x28: {  	s2 =	sld [smem:$0x3FAF]  }
0x29: {  	s4 =	sld [smem:$0x3FB1]  }
0x2a: {  	p0 =	seq.s32 s5, $0x0;
	s5 =	sld [smem:$0x3FB2]  }
0x2b: {  	s6 =	sld [smem:$0x3FB3]  }
0x2c: {  	s7 =	sld [smem:$0x3FB4]  }
0x2d: {  	s3 =	simm.s32 $0x108;
	s8 =	sld [smem:$0x3FB5]  }
0x2e: {  	s3 =	simm.s32 @!p0 $0x1082;
	s9 =	sld [smem:$0x3FB6]  }
0x2f: {  	lr =	sadd.s32 s0, s3;
	s0 =	sld [smem:$0x3FAD]  }
0x30: {  	s3 =	sld [smem:$0x3FB0]  }
0x31: {  	[smem:$0x3FB9] =	sst s10  }
0x32: {  	s10 =	sld [smem:$0x3FB7];
	_ =	sdelay $0x3  }
0x33: {  	p0 =	seq.s32 s10, $0x1;
	s10 =	sld [smem:$0x3FB9];
	_ =	sdelay $0x3  }
0x34: {  	[smem:$0x3FB9] =	sst s10  }
0x35: {  	s10 =	sld [smem:$0x3FB8];
	_ =	sdelay $0x3  }
0x36: {  	p1 =	seq.s32 s10, $0x1;
	s10 =	sld [smem:$0x3FB9];
	_ =	sdelay $0x3  }
0x37: {  	[smem:$0x3FB9] =	sst s10  }
0x38: {  	s10 =	sld [smem:$0x3FBA]  }
0x39: {  	_ = 	snop;
	(pc) =	sbr.ind lr, $3  }
0x3a: {  	_ = 	snop  }
0x3b: {  	_ = 	snop  }
0x3c: {  	p2 =	seq.s32 s10, $0x1;
	s10 =	sld [smem:$0x3FB9]  }
0x3d: {  	_ =	shalt  }
0x3e: {  	_ =	shalt  }
0x3f: {  	_ =	shalt  }
0x40: {  	_ =	shalt  }
0x41: {  	_ =	shalt  }
0x42: {  	_ =	shalt  }
0x43: {  	_ =	shalt  }
0x44: {  	_ =	shalt  }
0x45: {  	_ =	shalt  }
0x46: {  	_ =	shalt  }
0x47: {  	_ =	shalt  }
0x48: {  	_ =	shalt  }
0x49: {  	_ =	shalt  }
0x4a: {  	_ =	shalt  }
0x4b: {  	_ =	shalt  }
0x4c: {  	_ =	shalt  }
0x4d: {  	_ =	shalt  }
0x4e: {  	_ =	shalt  }
0x4f: {  	_ =	shalt  }
0x50: {  	_ =	shalt  }
0x51: {  	_ =	shalt  }
0x52: {  	_ =	shalt  }
0x53: {  	_ =	shalt  }
0x54: {  	_ =	shalt  }
0x55: {  	_ =	shalt  }
0x56: {  	_ =	shalt  }
0x57: {  	_ =	shalt  }
0x58: {  	_ =	shalt  }
0x59: {  	_ =	shalt  }
0x5a: {  	_ =	shalt  }
0x5b: {  	_ =	shalt  }
0x5c: {  	_ =	shalt  }
0x5d: {  	_ =	shalt  }
0x5e: {  	_ =	shalt  }
0x5f: {  	_ =	shalt  }
0x60: {  	_ =	shalt  }
0x61: {  	_ =	shalt  }
0x62: {  	_ =	shalt  }
0x63: {  	_ =	shalt  }
0x64: {  	_ =	shalt  }
0x65: {  	_ =	shalt  }
0x66: {  	_ =	shalt  }
0x67: {  	_ =	shalt  }
0x68: {  	_ =	shalt  }
0x69: {  	_ =	shalt  }
0x6a: {  	_ =	shalt  }
0x6b: {  	_ =	shalt  }
0x6c: {  	_ =	shalt  }
0x6d: {  	_ =	shalt  }
0x6e: {  	_ =	shalt  }
0x6f: {  	_ =	shalt  }
0x70: {  	_ =	shalt  }
0x71: {  	_ =	shalt  }
0x72: {  	_ =	shalt  }
0x73: {  	_ =	shalt  }
0x74: {  	_ =	shalt  }
0x75: {  	_ =	shalt  }
0x76: {  	_ =	shalt  }
0x77: {  	_ =	shalt  }
0x78: {  	_ =	shalt  }
0x79: {  	_ =	shalt  }
0x7a: {  	_ =	shalt  }
0x7b: {  	_ =	shalt  }
0x7c: {  	_ =	shalt  }
0x7d: {  	_ =	shalt  }
0x7e: {  	_ =	shalt  }
0x7f: {  	_ =	shalt  }
0x80: {  	_ =	shalt  }
0x81: {  	_ =	shalt  }
0x82: {  	_ =	shalt  }
0x83: {  	_ =	shalt  }
0x84: {  	_ =	shalt  }
0x85: {  	_ =	shalt  }
0x86: {  	_ =	shalt  }
0x87: {  	_ =	shalt  }
.Lfunc_end0:
.L_simem_size_0:
called_computation_lowered:
.L_overlay_start_0:
0x88: {  	s2 =	sld [smem:$0x3FD9]  }
0x89: {  	s3 =	sld [smem:$0x3FFE];
	_ =	sdelay $0x1  }
0x8a: {  	s1 =	srdreg.scid  }
0x8b: {  	s0 =	sand.u32 $0x1, s1  }
0x8c: {  	s17 =	sshll.u32 s0, $0xA;
	s2 =	sadd.s32 s3, s2  }
0x8d: {  	s2 =	sadd.s32 s2, s17  }
0x8e: {  	[smem:$0x3FC5] =	sst s2  }
0x8f: {  	_ = 	snop  }
0x90: {  	s2 =	sld [smem:$0x3FC9]  }
0x91: {  	s18 =	sld [smem:$0x3FD0];
	(tm) =	ssettm $0x1  }
0x92: {  	s4 =	sld [smem:$0x3FFB];
	_ =	sdelay $0x3  }
0x93: {  	_ =	strace s4  }
0x94: {  	s4 =	sld [smem:$0x3FFC];
	_ =	sdelay $0x3  }
0x95: {  	_ =	strace s4  }
0x96: {  	s4 =	sld [smem:$0x3FFD];
	_ =	sdelay $0x3  }
0x97: {  	_ =	strace s4  }
0x98: {  	_ =	strace $0x8FFFFFFF  }
0x99: {  	s19 =	sld [smem:$0x3FDB];
	_ =	sdelay $0x1  }
0x9a: {  	s5 =	simm.s32 $_scs_section_size  }
0x9b: {  	s6 =	simm.s32 $_size__tile_overlayer_lowered;
	s7 =	simm.s32 $_tile_overlayer_lowered  }
0x9c: {  	s22 =	simm.s32 $0x1BFF;
	s21 =	sshll.u32 s7, $0x1;
	s4 =	sadd.s32 s5, s19  }
0x9d: {  	s8 =	simm.s32 $0x0;
	s20 =	sshll.u32 s6, $0x1;
	s6 =	sadd.s32 s21, s4  }
0x9e: {  	[timem:s8], [sflag:s22] =	dma.local [hbm:s6], s20  }
0x9f: {  	_ =	swait.ge [sflag:s22], s20  }
0xa0: {  	s5 =	ssub.s32 $0x0, s20;
	[sflag:s22] =	ssyncset.done $0x0  }
0xa1: {  	[sflag:s22] =	ssyncadd.s32 s5;
	_ =	sdelay $0x1  }
0xa2: {  	s23 =	simm.s32 $0x1B8B  }
0xa3: {  	_ =	swait.ge [sflag:s23], $0x1  }
0xa4: {  	[sflag:s23] =	ssyncset.done $0x0  }
0xa5: {  	s25 =	simm.s32 $0x1B8E;
	s24 =	sld [smem:$0x3FFE];
	[sflag:s23] =	ssyncadd.s32 $0xFFFFFFFF  }
0xa6: {  	s26 =	simm.s32 $execute0_lowered;
	[smem:$0x3FD2] =	sst s25  }
0xa7: {  	s6 =	sshll.u32 s26, $0x1;
	_ =	strace $0x80000046;
	[dreg:$0x1] =	wrdreg $0xFFFFFFFF  }
0xa8: {  	s28 =	simm.s32 $_size_execute0_lowered;
	s4 =	sadd.s32 s4, s6;
	[dreg:$0x0] =	wrdreg $0x0  }
0xa9: {  	s6 =	sshll.u32 s28, $0x1;
	[dreg:$0x2] =	wrdreg s4  }
0xaa: {  	[dreg:$0x3] =	wrdreg s6  }
0xab: {  	[dreg:$0x4] =	wrdreg $0xC0  }
0xac: {  	_ =	task [dreg:s8], $0x5FFFF  }
0xad: {  	[dreg:$0x1] =	wrdreg $0xFFFFFFFF  }
0xae: {  	[dreg:$0x0] =	wrdreg $0x60  }
0xaf: {  	[dreg:$0x2] =	wrdreg s2  }
0xb0: {  	[dreg:$0x3] =	wrdreg s18  }
0xb1: {  	[dreg:$0x4] =	wrdreg s24  }
0xb2: {  	[dreg:$0x5] =	wrdreg $0x9  }
0xb3: {  	_ =	task.clear_ibuf [dreg:s8], $0x6FFFF;
	_ =	strace $0x90000046  }
0xb4: {  	s29 =	simm.s32 $0x9;
	_ =	strace $0x80000048  }
0xb5: {  	_ =	swait.ge [sflag:s29], $0x1  }
0xb6: {  	[sflag:s29] =	ssyncadd.s32 $0xFFFFFFFF  }
0xb7: {  	_ =	strace $0x90000048  }
0xb8: {  	_ =	sfence  }
0xb9: {  	s30 =	sld [smem:$0x0];
	_ =	sdelay $0x2  }
0xba: {  	s31 =	sshll.u32 s1, $0xD;
	s1 =	sshrl.u32 s1, $0x2  }
0xbb: {  	s3 =	sand.u32 $0x4000, s31;
	s1 =	sadd.s32 s1, s30  }
0xbc: {  	s0 =	sor.u32 s3, s0;
	s1 =	sshll.u32 s1, $0x11  }
0xbd: {  	s0 =	sor.u32 s1, s0  }
0xbe: {  	s0 =	sadd.s32 $0x8F2B, s0  }
0xbf: {  	[sflag:s0] =	ssyncadd.remote.s32 $0x1  }
0xc0: {  	_ =	sfence.sel $0xFFFF  }
0xc1: {  	[dreg:$0x0] =	wrdreg $0xFFFFFFFF;
	(pc) =	sbr.abs _section_cstart, $3  }
0xc2: {  	[dreg:$0x1] =	wrdreg $0xFFFFFFFF  }
0xc3: {  	_ =	task.clear_ibuf [dreg:s8], $0x2FFFF;
	_ =	strace $0x9FFFFFFF  }
0xc4: {  	(tm) =	ssettm $0x7FFFFFFF  }
0xc5: {  	_ =	shalt  }
tec
execute0_lowered:
.L_overlay_start_1:
0x0: {  	(tag) =	ssettag $0x1  }
0x1: {  	s0 =	rddreg [dreg:$0x0]  }
0x2: {  	s1 =	rddreg [dreg:$0x1];
	s3 =	srdreg.scid  }
0x3: {  	s5 =	stileid.u32;
	s2 =	rddreg [dreg:$0x2]  }
0x4: {  	s21 =	simm.s32 $0x400;
	s4 =	sand.u32 $0x1, s3;
	s5 =	sshll.u32 s5, $0x1  }
0x5: {  	s11 =	simm.s32 $0x8400;
	s12 =	simm.s32 $0x1;
	s5 =	sor.u32 s4, s5  }
0x6: {  	s29 =	simm.s32 $0x3;
	s3 =	simm.s32 $0x0;
	s6 =	sshll.u32 s5, $0x7  }
0x7: {  	[smem:$0x7FF] =	sst s3;
	s5 =	sshll.u32 s5, $0xF;
	s1 =	sadd.s32 s1, s6  }
0x8: {  	_ =	strace $0x80000047;
	s8 =	sadd.s32 s0, s5;
	[dreg:$0x4] =	wrdreg s1  }
0x9: {  	s30 =	simm.s32 $0x2;
	s0 =	sadd.s32 $0x1000, s8;
	[dreg:$0xc] =	wrdreg s8  }
0xa: {  	s7 =	sadd.s32 $0x300, s2;
	s23 =	sadd.s32 $0x2000, s8;
	[dreg:$0x5] =	wrdreg s0  }
0xb: {  	s22 =	ssub.s32 $0x2, s4;
	s24 =	sadd.s32 $0x3000, s8;
	[dreg:$0x6] =	wrdreg s23  }
0xc: {  	s4 =	sshrl.u32 s22, $0x1;
	s25 =	sadd.s32 $0x4000, s8;
	[dreg:$0x7] =	wrdreg s24  }
0xd: {  	s5 =	sadd.s32 $0x100, s2;
	s26 =	sadd.s32 $0x5000, s8;
	[dreg:$0x8] =	wrdreg s25  }
0xe: {  	v2 =	vlaneseq.u32;
	s6 =	sadd.s32 $0x200, s2;
	s28 =	sadd.s32 $0x6000, s8;
	[dreg:$0x9] =	wrdreg s26  }
0xf: {  	vm0 =	vmmov $0xffff;
	v1 =	vshrl.u32 v2, $0x3;
	s1 =	ssub.s32 s22, s4;
	s31 =	sadd.s32 $0x7000, s8;
	[dreg:$0xa] =	wrdreg s28  }
0x10: {  	v0 =	vand.u32 $0x7, v2;
	v2 =	vor.u32 $0x8, v2;
	v1 =	vmul.u32 $0x8, v1;
	[dreg:$0xb] =	wrdreg s31;
	s8 =	smax.u32 s1, $0x1;
	s23 =	simm.s32 $0x4  }
.LBB2_1:
0x11: {  	s24 =	rddreg [dreg:$0x4];
	s14 =	simm.s32 $0x5  }
0x12: {  	[tilespmem:s3], [sflag:$0x5] =	stream.linear.gather [hbm4b:s24+s3], $0x400, $0x38;
	[tilespmem:$0x10400] =	vst v63  }
0x13: {  	_ =	swait.ge [sflag:s14], $0x400  }
0x14: {  	[sflag:s14] =	ssyncset.done $0x0  }
0x15: {  	s25 =	rddreg [dreg:$0xc];
	[sflag:s14] =	ssyncadd.s32 $0xFFFFFC00  }
0x16: {  	[tilespmem:s21], [sflag:$0x1] =	stream.linear.gather [hbm4b:s25+s3], $0x8000, $0x38;
	[tilespmem:$0x10400] =	vst v63  }
0x17: {  	s15 =	rddreg [dreg:$0x5]  }
0x18: {  	[tilespmem:s11], [sflag:$0x2] =	stream.linear.gather [hbm4b:s15+s3], $0x8000, $0x38;
	[tilespmem:$0x10400] =	vst v63  }
0x19: {  	_ =	swait.ge [sflag:s12], $0x8000  }
0x1a: {  	[sflag:s12] =	ssyncset.done $0x0  }
0x1b: {  	[sflag:s12] =	ssyncadd.s32 $0xFFFF8000  }
0x1c: {  	v3 =	vld [tilespmem:$0x0];
	_ =	sdelay $0x4  }
0x1d: {  	v4 =	vshll.u32 v3, $0x3  }
0x1e: {  	v3 =	vand.u32 $0x7, v3;
	v4 =	vand.u32 $0xFFFFFFC0, v4  }
0x1f: {  	v3 =	vor.u32 v3, v4  }
0x20: {  	v4 =	vperm.xlane v3, v0;
	_ =	sdelay $0x1  }
0x21: {  	v4 =	vadd.s32 v1, v4;
	_ =	sdelay $0x4  }
0x22: {  	[hbm4b:s2+s3] =	stream.indirect_vreg.scatter [tilespmem:s21], [sflag:$0x3], $0x80, v4, vm0, $0xb8;
	[tilespmem:$0x10400] =	vst v63  }
0x23: {  	s0 =	simm.s32 $0xC00;
	v3 =	vperm.xlane v3, v2  }
0x24: {  	[hbm4b:s5+s3] =	stream.indirect_vreg.scatter [tilespmem:s0], [sflag:$0x3], $0x80, v4, vm0, $0xb8;
	[tilespmem:$0x10400] =	vst v63  }
0x25: {  	s16 =	simm.s32 $0x1400;
	v3 =	vadd.s32 v1, v3  }
0x26: {  	[hbm4b:s6+s3] =	stream.indirect_vreg.scatter [tilespmem:s16], [sflag:$0x3], $0x80, v4, vm0, $0xb8;
	[tilespmem:$0x10400] =	vst v63  }
0x27: {  	s17 =	simm.s32 $0x1C00  }
0x28: {  	[hbm4b:s7+s3] =	stream.indirect_vreg.scatter [tilespmem:s17], [sflag:$0x3], $0x80, v4, vm0, $0xb8;
	[tilespmem:$0x10400] =	vst v63  }
0x29: {  	s18 =	simm.s32 $0x2400  }
0x2a: {  	[hbm4b:s2+s3] =	stream.indirect_vreg.scatter [tilespmem:s18], [sflag:$0x3], $0x80, v3, vm0, $0xb8;
	[tilespmem:$0x10400] =	vst v63  }
0x2b: {  	s19 =	simm.s32 $0x2C00  }
0x2c: {  	[hbm4b:s5+s3] =	stream.indirect_vreg.scatter [tilespmem:s19], [sflag:$0x3], $0x80, v3, vm0, $0xb8;
	[tilespmem:$0x10400] =	vst v63  }
0x2d: {  	s20 =	simm.s32 $0x3400  }
0x2e: {  	[hbm4b:s6+s3] =	stream.indirect_vreg.scatter [tilespmem:s20], [sflag:$0x3], $0x80, v3, vm0, $0xb8;
	[tilespmem:$0x10400] =	vst v63  }
0x2f: {  	s22 =	simm.s32 $0x3C00  }
0x30: {  	[hbm4b:s7+s3] =	stream.indirect_vreg.scatter [tilespmem:s22], [sflag:$0x3], $0x80, v3, vm0, $0xb8;
	[tilespmem:$0x10400] =	vst v63  }
0x31: {  	v3 =	vld [tilespmem:$0x10];
	_ =	sdelay $0x4  }
0x32: {  	v49 =	vshll.u32 v3, $0x3  }
0x33: {  	v3 =	vand.u32 $0x7, v3;
	v4 =	vand.u32 $0xFFFFFFC0, v49  }
0x34: {  	v3 =	vor.u32 v3, v4  }
0x35: {  	v4 =	vperm.xlane v3, v0;
	_ =	sdelay $0x1  }
0x36: {  	v4 =	vadd.s32 v1, v4;
	_ =	sdelay $0x3  }
0x37: {  	s24 =	simm.s32 $0x4400  }
0x38: {  	[hbm4b:s2+s3] =	stream.indirect_vreg.scatter [tilespmem:s24], [sflag:$0x3], $0x80, v4, vm0, $0xb8;
	[tilespmem:$0x10400] =	vst v63  }
0x39: {  	s25 =	simm.s32 $0x4C00;
	v3 =	vperm.xlane v3, v2  }
0x3a: {  	[hbm4b:s5+s3] =	stream.indirect_vreg.scatter [tilespmem:s25], [sflag:$0x3], $0x80, v4, vm0, $0xb8;
	[tilespmem:$0x10400] =	vst v63  }
0x3b: {  	s26 =	simm.s32 $0x5400;
	v3 =	vadd.s32 v1, v3  }
0x3c: {  	[hbm4b:s6+s3] =	stream.indirect_vreg.scatter [tilespmem:s26], [sflag:$0x3], $0x80, v4, vm0, $0xb8;
	[tilespmem:$0x10400] =	vst v63  }
0x3d: {  	s28 =	simm.s32 $0x5C00  }
0x3e: {  	[hbm4b:s7+s3] =	stream.indirect_vreg.scatter [tilespmem:s28], [sflag:$0x3], $0x80, v4, vm0, $0xb8;
	[tilespmem:$0x10400] =	vst v63  }
0x3f: {  	s31 =	simm.s32 $0x6400  }
0x40: {  	[hbm4b:s2+s3] =	stream.indirect_vreg.scatter [tilespmem:s31], [sflag:$0x3], $0x80, v3, vm0, $0xb8;
	[tilespmem:$0x10400] =	vst v63  }
0x41: {  	s15 =	simm.s32 $0x6C00  }
0x42: {  	[hbm4b:s5+s3] =	stream.indirect_vreg.scatter [tilespmem:s15], [sflag:$0x3], $0x80, v3, vm0, $0xb8;
	[tilespmem:$0x10400] =	vst v63  }
0x43: {  	s16 =	simm.s32 $0x7400  }
0x44: {  	[hbm4b:s6+s3] =	stream.indirect_vreg.scatter [tilespmem:s16], [sflag:$0x3], $0x80, v3, vm0, $0xb8;
	[tilespmem:$0x10400] =	vst v63  }
0x45: {  	s17 =	simm.s32 $0x7C00  }
0x46: {  	[hbm4b:s7+s3] =	stream.indirect_vreg.scatter [tilespmem:s17], [sflag:$0x3], $0x80, v3, vm0, $0xb8;
	[tilespmem:$0x10400] =	vst v63  }
0x47: {  	_ =	swait.ge [sflag:s29], $0x8000  }
0x48: {  	[sflag:s29] =	ssyncset.done $0x0  }
0x49: {  	s18 =	rddreg [dreg:$0x6];
	[sflag:s29] =	ssyncadd.s32 $0xFFFF8000  }
0x4a: {  	[tilespmem:s21], [sflag:$0x1] =	stream.linear.gather [hbm4b:s18+s3], $0x8000, $0x38;
	[tilespmem:$0x10400] =	vst v63  }
0x4b: {  	_ =	swait.ge [sflag:s30], $0x8000  }
0x4c: {  	[sflag:s30] =	ssyncset.done $0x0  }
0x4d: {  	[sflag:s30] =	ssyncadd.s32 $0xFFFF8000  }
0x4e: {  	v3 =	vld [tilespmem:$0x80];
	_ =	sdelay $0x4  }
0x4f: {  	v50 =	vshll.u32 v3, $0x3  }
0x50: {  	v3 =	vand.u32 $0x7, v3;
	v4 =	vand.u32 $0xFFFFFFC0, v50  }
0x51: {  	v3 =	vor.u32 v3, v4  }
0x52: {  	v4 =	vperm.xlane v3, v0;
	_ =	sdelay $0x1  }
0x53: {  	v4 =	vadd.s32 v1, v4;
	_ =	sdelay $0x4  }
0x54: {  	[hbm4b:s2+s3] =	stream.indirect_vreg.scatter [tilespmem:s11], [sflag:$0x4], $0x80, v4, vm0, $0xb8;
	[tilespmem:$0x10400] =	vst v63  }
0x55: {  	s19 =	simm.s32 $0x8C00;
	v3 =	vperm.xlane v3, v2  }
0x56: {  	[hbm4b:s5+s3] =	stream.indirect_vreg.scatter [tilespmem:s19], [sflag:$0x4], $0x80, v4, vm0, $0xb8;
	[tilespmem:$0x10400] =	vst v63  }
0x57: {  	s20 =	simm.s32 $0x9400;
	v3 =	vadd.s32 v1, v3  }
0x58: {  	[hbm4b:s6+s3] =	stream.indirect_vreg.scatter [tilespmem:s20], [sflag:$0x4], $0x80, v4, vm0, $0xb8;
	[tilespmem:$0x10400] =	vst v63  }
0x59: {  	s22 =	simm.s32 $0x9C00  }
0x5a: {  	[hbm4b:s7+s3] =	stream.indirect_vreg.scatter [tilespmem:s22], [sflag:$0x4], $0x80, v4, vm0, $0xb8;
	[tilespmem:$0x10400] =	vst v63  }
0x5b: {  	s24 =	simm.s32 $0xA400  }
0x5c: {  	[hbm4b:s2+s3] =	stream.indirect_vreg.scatter [tilespmem:s24], [sflag:$0x4], $0x80, v3, vm0, $0xb8;
	[tilespmem:$0x10400] =	vst v63  }
0x5d: {  	s25 =	simm.s32 $0xAC00  }
0x5e: {  	[hbm4b:s5+s3] =	stream.indirect_vreg.scatter [tilespmem:s25], [sflag:$0x4], $0x80, v3, vm0, $0xb8;
	[tilespmem:$0x10400] =	vst v63  }
0x5f: {  	s26 =	simm.s32 $0xB400  }
0x60: {  	[hbm4b:s6+s3] =	stream.indirect_vreg.scatter [tilespmem:s26], [sflag:$0x4], $0x80, v3, vm0, $0xb8;
	[tilespmem:$0x10400] =	vst v63  }
0x61: {  	s28 =	simm.s32 $0xBC00  }
0x62: {  	[hbm4b:s7+s3] =	stream.indirect_vreg.scatter [tilespmem:s28], [sflag:$0x4], $0x80, v3, vm0, $0xb8;
	[tilespmem:$0x10400] =	vst v63  }
0x63: {  	v3 =	vld [tilespmem:$0x90];
	_ =	sdelay $0x4  }
0x64: {  	v51 =	vshll.u32 v3, $0x3  }
0x65: {  	v3 =	vand.u32 $0x7, v3;
	v4 =	vand.u32 $0xFFFFFFC0, v51  }
0x66: {  	v3 =	vor.u32 v3, v4  }
0x67: {  	v4 =	vperm.xlane v3, v0;
	_ =	sdelay $0x1  }
0x68: {  	v4 =	vadd.s32 v1, v4;
	_ =	sdelay $0x3  }
0x69: {  	s31 =	simm.s32 $0xC400  }
0x6a: {  	[hbm4b:s2+s3] =	stream.indirect_vreg.scatter [tilespmem:s31], [sflag:$0x4], $0x80, v4, vm0, $0xb8;
	[tilespmem:$0x10400] =	vst v63  }
0x6b: {  	s15 =	simm.s32 $0xCC00;
	v3 =	vperm.xlane v3, v2  }
0x6c: {  	[hbm4b:s5+s3] =	stream.indirect_vreg.scatter [tilespmem:s15], [sflag:$0x4], $0x80, v4, vm0, $0xb8;
	[tilespmem:$0x10400] =	vst v63  }
0x6d: {  	s22 =	simm.s32 $0xD400;
	v3 =	vadd.s32 v1, v3  }
0x6e: {  	[hbm4b:s6+s3] =	stream.indirect_vreg.scatter [tilespmem:s22], [sflag:$0x4], $0x80, v4, vm0, $0xb8;
	[tilespmem:$0x10400] =	vst v63  }
0x6f: {  	s24 =	simm.s32 $0xDC00  }
0x70: {  	[hbm4b:s7+s3] =	stream.indirect_vreg.scatter [tilespmem:s24], [sflag:$0x4], $0x80, v4, vm0, $0xb8;
	[tilespmem:$0x10400] =	vst v63  }
0x71: {  	s25 =	simm.s32 $0xE400  }
0x72: {  	[hbm4b:s2+s3] =	stream.indirect_vreg.scatter [tilespmem:s25], [sflag:$0x4], $0x80, v3, vm0, $0xb8;
	[tilespmem:$0x10400] =	vst v63  }
0x73: {  	s26 =	simm.s32 $0xEC00  }
0x74: {  	[hbm4b:s5+s3] =	stream.indirect_vreg.scatter [tilespmem:s26], [sflag:$0x4], $0x80, v3, vm0, $0xb8;
	[tilespmem:$0x10400] =	vst v63  }
0x75: {  	s28 =	simm.s32 $0xF400  }
0x76: {  	[hbm4b:s6+s3] =	stream.indirect_vreg.scatter [tilespmem:s28], [sflag:$0x4], $0x80, v3, vm0, $0xb8;
	[tilespmem:$0x10400] =	vst v63  }
0x77: {  	s31 =	simm.s32 $0xFC00  }
0x78: {  	[hbm4b:s7+s3] =	stream.indirect_vreg.scatter [tilespmem:s31], [sflag:$0x4], $0x80, v3, vm0, $0xb8;
	[tilespmem:$0x10400] =	vst v63  }
0x79: {  	_ =	swait.ge [sflag:s23], $0x8000  }
0x7a: {  	[sflag:s23] =	ssyncset.done $0x0  }
0x7b: {  	s15 =	rddreg [dreg:$0x7];
	[sflag:s23] =	ssyncadd.s32 $0xFFFF8000  }
0x7c: {  	[tilespmem:s11], [sflag:$0x2] =	stream.linear.gather [hbm4b:s15+s3], $0x8000, $0x38;
	[tilespmem:$0x10400] =	vst v63  }
0x7d: {  	_ =	swait.ge [sflag:s12], $0x8000  }
0x7e: {  	[sflag:s12] =	ssyncset.done $0x0  }
0x7f: {  	[sflag:s12] =	ssyncadd.s32 $0xFFFF8000  }
0x80: {  	v3 =	vld [tilespmem:$0x100];
	_ =	sdelay $0x4  }
0x81: {  	v52 =	vshll.u32 v3, $0x3  }
0x82: {  	v3 =	vand.u32 $0x7, v3;
	v4 =	vand.u32 $0xFFFFFFC0, v52  }
0x83: {  	v3 =	vor.u32 v3, v4  }
0x84: {  	v4 =	vperm.xlane v3, v0;
	_ =	sdelay $0x1  }
0x85: {  	v4 =	vadd.s32 v1, v4;
	_ =	sdelay $0x4  }
0x86: {  	[hbm4b:s2+s3] =	stream.indirect_vreg.scatter [tilespmem:s21], [sflag:$0x3], $0x80, v4, vm0, $0xb8;
	[tilespmem:$0x10400] =	vst v63  }
0x87: {  	s10 =	simm.s32 $0xC00;
	v3 =	vperm.xlane v3, v2  }
0x88: {  	[hbm4b:s5+s3] =	stream.indirect_vreg.scatter [tilespmem:s10], [sflag:$0x3], $0x80, v4, vm0, $0xb8;
	[tilespmem:$0x10400] =	vst v63  }
0x89: {  	s1 =	simm.s32 $0x1400;
	v3 =	vadd.s32 v1, v3  }
0x8a: {  	[hbm4b:s6+s3] =	stream.indirect_vreg.scatter [tilespmem:s1], [sflag:$0x3], $0x80, v4, vm0, $0xb8;
	[tilespmem:$0x10400] =	vst v63  }
0x8b: {  	s4 =	simm.s32 $0x1C00  }
0x8c: {  	[hbm4b:s7+s3] =	stream.indirect_vreg.scatter [tilespmem:s4], [sflag:$0x3], $0x80, v4, vm0, $0xb8;
	[tilespmem:$0x10400] =	vst v63  }
0x8d: {  	s9 =	simm.s32 $0x2400  }
0x8e: {  	[hbm4b:s2+s3] =	stream.indirect_vreg.scatter [tilespmem:s9], [sflag:$0x3], $0x80, v3, vm0, $0xb8;
	[tilespmem:$0x10400] =	vst v63  }
0x8f: {  	s0 =	simm.s32 $0x2C00  }
0x90: {  	[hbm4b:s5+s3] =	stream.indirect_vreg.scatter [tilespmem:s0], [sflag:$0x3], $0x80, v3, vm0, $0xb8;
	[tilespmem:$0x10400] =	vst v63  }
0x91: {  	s1 =	simm.s32 $0x3400  }
0x92: {  	[hbm4b:s6+s3] =	stream.indirect_vreg.scatter [tilespmem:s1], [sflag:$0x3], $0x80, v3, vm0, $0xb8;
	[tilespmem:$0x10400] =	vst v63  }
0x93: {  	s13 =	simm.s32 $0x3C00  }
0x94: {  	[hbm4b:s7+s3] =	stream.indirect_vreg.scatter [tilespmem:s13], [sflag:$0x3], $0x80, v3, vm0, $0xb8;
	[tilespmem:$0x10400] =	vst v63  }
0x95: {  	v3 =	vld [tilespmem:$0x110];
	_ =	sdelay $0x4  }
0x96: {  	v53 =	vshll.u32 v3, $0x3  }
0x97: {  	v3 =	vand.u32 $0x7, v3;
	v4 =	vand.u32 $0xFFFFFFC0, v53  }
0x98: {  	v3 =	vor.u32 v3, v4  }
0x99: {  	v4 =	vperm.xlane v3, v0;
	_ =	sdelay $0x1  }
0x9a: {  	v4 =	vadd.s32 v1, v4;
	_ =	sdelay $0x3  }
0x9b: {  	s14 =	simm.s32 $0x4400  }
0x9c: {  	[hbm4b:s2+s3] =	stream.indirect_vreg.scatter [tilespmem:s14], [sflag:$0x3], $0x80, v4, vm0, $0xb8;
	[tilespmem:$0x10400] =	vst v63  }
0x9d: {  	s15 =	simm.s32 $0x4C00;
	v3 =	vperm.xlane v3, v2  }
0x9e: {  	[hbm4b:s5+s3] =	stream.indirect_vreg.scatter [tilespmem:s15], [sflag:$0x3], $0x80, v4, vm0, $0xb8;
	[tilespmem:$0x10400] =	vst v63  }
0x9f: {  	s4 =	simm.s32 $0x5400;
	v3 =	vadd.s32 v1, v3  }
0xa0: {  	[hbm4b:s6+s3] =	stream.indirect_vreg.scatter [tilespmem:s4], [sflag:$0x3], $0x80, v4, vm0, $0xb8;
	[tilespmem:$0x10400] =	vst v63  }
0xa1: {  	s9 =	simm.s32 $0x5C00  }
0xa2: {  	[hbm4b:s7+s3] =	stream.indirect_vreg.scatter [tilespmem:s9], [sflag:$0x3], $0x80, v4, vm0, $0xb8;
	[tilespmem:$0x10400] =	vst v63  }
0xa3: {  	s10 =	simm.s32 $0x6400  }
0xa4: {  	[hbm4b:s2+s3] =	stream.indirect_vreg.scatter [tilespmem:s10], [sflag:$0x3], $0x80, v3, vm0, $0xb8;
	[tilespmem:$0x10400] =	vst v63  }
0xa5: {  	s13 =	simm.s32 $0x6C00  }
0xa6: {  	[hbm4b:s5+s3] =	stream.indirect_vreg.scatter [tilespmem:s13], [sflag:$0x3], $0x80, v3, vm0, $0xb8;
	[tilespmem:$0x10400] =	vst v63  }
0xa7: {  	s14 =	simm.s32 $0x7400  }
0xa8: {  	[hbm4b:s6+s3] =	stream.indirect_vreg.scatter [tilespmem:s14], [sflag:$0x3], $0x80, v3, vm0, $0xb8;
	[tilespmem:$0x10400] =	vst v63  }
0xa9: {  	s17 =	simm.s32 $0x7C00  }
0xaa: {  	[hbm4b:s7+s3] =	stream.indirect_vreg.scatter [tilespmem:s17], [sflag:$0x3], $0x80, v3, vm0, $0xb8;
	[tilespmem:$0x10400] =	vst v63  }
0xab: {  	_ =	swait.ge [sflag:s29], $0x8000  }
0xac: {  	[sflag:s29] =	ssyncset.done $0x0  }
0xad: {  	s22 =	rddreg [dreg:$0x8];
	[sflag:s29] =	ssyncadd.s32 $0xFFFF8000  }
0xae: {  	[tilespmem:s21], [sflag:$0x1] =	stream.linear.gather [hbm4b:s22+s3], $0x8000, $0x38;
	[tilespmem:$0x10400] =	vst v63  }
0xaf: {  	_ =	swait.ge [sflag:s30], $0x8000  }
0xb0: {  	[sflag:s30] =	ssyncset.done $0x0  }
0xb1: {  	[sflag:s30] =	ssyncadd.s32 $0xFFFF8000  }
0xb2: {  	v3 =	vld [tilespmem:$0x180];
	_ =	sdelay $0x4  }
0xb3: {  	v54 =	vshll.u32 v3, $0x3  }
0xb4: {  	v3 =	vand.u32 $0x7, v3;
	v4 =	vand.u32 $0xFFFFFFC0, v54  }
0xb5: {  	v3 =	vor.u32 v3, v4  }
0xb6: {  	v4 =	vperm.xlane v3, v0;
	_ =	sdelay $0x1  }
0xb7: {  	v4 =	vadd.s32 v1, v4;
	_ =	sdelay $0x4  }
0xb8: {  	[hbm4b:s2+s3] =	stream.indirect_vreg.scatter [tilespmem:s11], [sflag:$0x4], $0x80, v4, vm0, $0xb8;
	[tilespmem:$0x10400] =	vst v63  }
0xb9: {  	s22 =	simm.s32 $0x8C00;
	v3 =	vperm.xlane v3, v2  }
0xba: {  	[hbm4b:s5+s3] =	stream.indirect_vreg.scatter [tilespmem:s22], [sflag:$0x4], $0x80, v4, vm0, $0xb8;
	[tilespmem:$0x10400] =	vst v63  }
0xbb: {  	s16 =	simm.s32 $0x9400;
	v3 =	vadd.s32 v1, v3  }
0xbc: {  	[hbm4b:s6+s3] =	stream.indirect_vreg.scatter [tilespmem:s16], [sflag:$0x4], $0x80, v4, vm0, $0xb8;
	[tilespmem:$0x10400] =	vst v63  }
0xbd: {  	s20 =	simm.s32 $0x9C00  }
0xbe: {  	[hbm4b:s7+s3] =	stream.indirect_vreg.scatter [tilespmem:s20], [sflag:$0x4], $0x80, v4, vm0, $0xb8;
	[tilespmem:$0x10400] =	vst v63  }
0xbf: {  	s26 =	simm.s32 $0xA400  }
0xc0: {  	[hbm4b:s2+s3] =	stream.indirect_vreg.scatter [tilespmem:s26], [sflag:$0x4], $0x80, v3, vm0, $0xb8;
	[tilespmem:$0x10400] =	vst v63  }
0xc1: {  	s28 =	simm.s32 $0xAC00  }
0xc2: {  	[hbm4b:s5+s3] =	stream.indirect_vreg.scatter [tilespmem:s28], [sflag:$0x4], $0x80, v3, vm0, $0xb8;
	[tilespmem:$0x10400] =	vst v63  }
0xc3: {  	s31 =	simm.s32 $0xB400  }
0xc4: {  	[hbm4b:s6+s3] =	stream.indirect_vreg.scatter [tilespmem:s31], [sflag:$0x4], $0x80, v3, vm0, $0xb8;
	[tilespmem:$0x10400] =	vst v63  }
0xc5: {  	s18 =	simm.s32 $0xBC00  }
0xc6: {  	[hbm4b:s7+s3] =	stream.indirect_vreg.scatter [tilespmem:s18], [sflag:$0x4], $0x80, v3, vm0, $0xb8;
	[tilespmem:$0x10400] =	vst v63  }
0xc7: {  	v3 =	vld [tilespmem:$0x190];
	_ =	sdelay $0x4  }
0xc8: {  	v55 =	vshll.u32 v3, $0x3  }
0xc9: {  	v3 =	vand.u32 $0x7, v3;
	v4 =	vand.u32 $0xFFFFFFC0, v55  }
0xca: {  	v3 =	vor.u32 v3, v4  }
0xcb: {  	v4 =	vperm.xlane v3, v0;
	_ =	sdelay $0x1  }
0xcc: {  	v4 =	vadd.s32 v1, v4;
	_ =	sdelay $0x3  }
0xcd: {  	s19 =	simm.s32 $0xC400  }
0xce: {  	[hbm4b:s2+s3] =	stream.indirect_vreg.scatter [tilespmem:s19], [sflag:$0x4], $0x80, v4, vm0, $0xb8;
	[tilespmem:$0x10400] =	vst v63  }
0xcf: {  	s20 =	simm.s32 $0xCC00;
	v3 =	vperm.xlane v3, v2  }
0xd0: {  	[hbm4b:s5+s3] =	stream.indirect_vreg.scatter [tilespmem:s20], [sflag:$0x4], $0x80, v4, vm0, $0xb8;
	[tilespmem:$0x10400] =	vst v63  }
0xd1: {  	s17 =	simm.s32 $0xD400;
	v3 =	vadd.s32 v1, v3  }
0xd2: {  	[hbm4b:s6+s3] =	stream.indirect_vreg.scatter [tilespmem:s17], [sflag:$0x4], $0x80, v4, vm0, $0xb8;
	[tilespmem:$0x10400] =	vst v63  }
0xd3: {  	s16 =	simm.s32 $0xDC00  }
0xd4: {  	[hbm4b:s7+s3] =	stream.indirect_vreg.scatter [tilespmem:s16], [sflag:$0x4], $0x80, v4, vm0, $0xb8;
	[tilespmem:$0x10400] =	vst v63  }
0xd5: {  	s18 =	simm.s32 $0xE400  }
0xd6: {  	[hbm4b:s2+s3] =	stream.indirect_vreg.scatter [tilespmem:s18], [sflag:$0x4], $0x80, v3, vm0, $0xb8;
	[tilespmem:$0x10400] =	vst v63  }
0xd7: {  	s19 =	simm.s32 $0xEC00  }
0xd8: {  	[hbm4b:s5+s3] =	stream.indirect_vreg.scatter [tilespmem:s19], [sflag:$0x4], $0x80, v3, vm0, $0xb8;
	[tilespmem:$0x10400] =	vst v63  }
0xd9: {  	s24 =	simm.s32 $0xF400  }
0xda: {  	[hbm4b:s6+s3] =	stream.indirect_vreg.scatter [tilespmem:s24], [sflag:$0x4], $0x80, v3, vm0, $0xb8;
	[tilespmem:$0x10400] =	vst v63  }
0xdb: {  	s25 =	simm.s32 $0xFC00  }
0xdc: {  	[hbm4b:s7+s3] =	stream.indirect_vreg.scatter [tilespmem:s25], [sflag:$0x4], $0x80, v3, vm0, $0xb8;
	[tilespmem:$0x10400] =	vst v63  }
0xdd: {  	_ =	swait.ge [sflag:s23], $0x8000  }
0xde: {  	[sflag:s23] =	ssyncset.done $0x0  }
0xdf: {  	s25 =	rddreg [dreg:$0x9];
	[sflag:s23] =	ssyncadd.s32 $0xFFFF8000  }
0xe0: {  	[tilespmem:s11], [sflag:$0x2] =	stream.linear.gather [hbm4b:s25+s3], $0x8000, $0x38;
	[tilespmem:$0x10400] =	vst v63  }
0xe1: {  	_ =	swait.ge [sflag:s12], $0x8000  }
0xe2: {  	[sflag:s12] =	ssyncset.done $0x0  }
0xe3: {  	[sflag:s12] =	ssyncadd.s32 $0xFFFF8000  }
0xe4: {  	v3 =	vld [tilespmem:$0x200];
	_ =	sdelay $0x4  }
0xe5: {  	v56 =	vshll.u32 v3, $0x3  }
0xe6: {  	v3 =	vand.u32 $0x7, v3;
	v4 =	vand.u32 $0xFFFFFFC0, v56  }
0xe7: {  	v3 =	vor.u32 v3, v4  }
0xe8: {  	v4 =	vperm.xlane v3, v0;
	_ =	sdelay $0x1  }
0xe9: {  	v4 =	vadd.s32 v1, v4;
	_ =	sdelay $0x4  }
0xea: {  	[hbm4b:s2+s3] =	stream.indirect_vreg.scatter [tilespmem:s21], [sflag:$0x3], $0x80, v4, vm0, $0xb8;
	[tilespmem:$0x10400] =	vst v63  }
0xeb: {  	s25 =	simm.s32 $0xC00;
	v3 =	vperm.xlane v3, v2  }
0xec: {  	[hbm4b:s5+s3] =	stream.indirect_vreg.scatter [tilespmem:s25], [sflag:$0x3], $0x80, v4, vm0, $0xb8;
	[tilespmem:$0x10400] =	vst v63  }
0xed: {  	v3 =	vadd.s32 v1, v3;
	s25 =	simm.s32 $0x1400  }
0xee: {  	[hbm4b:s6+s3] =	stream.indirect_vreg.scatter [tilespmem:s25], [sflag:$0x3], $0x80, v4, vm0, $0xb8;
	[tilespmem:$0x10400] =	vst v63  }
0xef: {  	s25 =	simm.s32 $0x1C00  }
0xf0: {  	[hbm4b:s7+s3] =	stream.indirect_vreg.scatter [tilespmem:s25], [sflag:$0x3], $0x80, v4, vm0, $0xb8;
	[tilespmem:$0x10400] =	vst v63  }
0xf1: {  	s25 =	simm.s32 $0x2400  }
0xf2: {  	[hbm4b:s2+s3] =	stream.indirect_vreg.scatter [tilespmem:s25], [sflag:$0x3], $0x80, v3, vm0, $0xb8;
	[tilespmem:$0x10400] =	vst v63  }
0xf3: {  	_ = 	snop  }
0xf4: {  	[hbm4b:s5+s3] =	stream.indirect_vreg.scatter [tilespmem:s0], [sflag:$0x3], $0x80, v3, vm0, $0xb8;
	[tilespmem:$0x10400] =	vst v63  }
0xf5: {  	_ = 	snop  }
0xf6: {  	[hbm4b:s6+s3] =	stream.indirect_vreg.scatter [tilespmem:s1], [sflag:$0x3], $0x80, v3, vm0, $0xb8;
	[tilespmem:$0x10400] =	vst v63  }
0xf7: {  	s0 =	simm.s32 $0x3C00  }
0xf8: {  	[hbm4b:s7+s3] =	stream.indirect_vreg.scatter [tilespmem:s0], [sflag:$0x3], $0x80, v3, vm0, $0xb8;
	[tilespmem:$0x10400] =	vst v63  }
0xf9: {  	v3 =	vld [tilespmem:$0x210];
	_ =	sdelay $0x4  }
0xfa: {  	v57 =	vshll.u32 v3, $0x3  }
0xfb: {  	v3 =	vand.u32 $0x7, v3;
	v4 =	vand.u32 $0xFFFFFFC0, v57  }
0xfc: {  	v3 =	vor.u32 v3, v4  }
0xfd: {  	v4 =	vperm.xlane v3, v0;
	_ =	sdelay $0x1  }
0xfe: {  	v4 =	vadd.s32 v1, v4;
	_ =	sdelay $0x3  }
0xff: {  	s1 =	simm.s32 $0x4400  }
0x100: {  	[hbm4b:s2+s3] =	stream.indirect_vreg.scatter [tilespmem:s1], [sflag:$0x3], $0x80, v4, vm0, $0xb8;
	[tilespmem:$0x10400] =	vst v63  }
0x101: {  	v3 =	vperm.xlane v3, v2  }
0x102: {  	[hbm4b:s5+s3] =	stream.indirect_vreg.scatter [tilespmem:s15], [sflag:$0x3], $0x80, v4, vm0, $0xb8;
	[tilespmem:$0x10400] =	vst v63  }
0x103: {  	v3 =	vadd.s32 v1, v3  }
0x104: {  	[hbm4b:s6+s3] =	stream.indirect_vreg.scatter [tilespmem:s4], [sflag:$0x3], $0x80, v4, vm0, $0xb8;
	[tilespmem:$0x10400] =	vst v63  }
0x105: {  	_ = 	snop  }
0x106: {  	[hbm4b:s7+s3] =	stream.indirect_vreg.scatter [tilespmem:s9], [sflag:$0x3], $0x80, v4, vm0, $0xb8;
	[tilespmem:$0x10400] =	vst v63  }
0x107: {  	_ = 	snop  }
0x108: {  	[hbm4b:s2+s3] =	stream.indirect_vreg.scatter [tilespmem:s10], [sflag:$0x3], $0x80, v3, vm0, $0xb8;
	[tilespmem:$0x10400] =	vst v63  }
0x109: {  	_ = 	snop  }
0x10a: {  	[hbm4b:s5+s3] =	stream.indirect_vreg.scatter [tilespmem:s13], [sflag:$0x3], $0x80, v3, vm0, $0xb8;
	[tilespmem:$0x10400] =	vst v63  }
0x10b: {  	_ = 	snop  }
0x10c: {  	[hbm4b:s6+s3] =	stream.indirect_vreg.scatter [tilespmem:s14], [sflag:$0x3], $0x80, v3, vm0, $0xb8;
	[tilespmem:$0x10400] =	vst v63  }
0x10d: {  	s9 =	simm.s32 $0x7C00  }
0x10e: {  	[hbm4b:s7+s3] =	stream.indirect_vreg.scatter [tilespmem:s9], [sflag:$0x3], $0x80, v3, vm0, $0xb8;
	[tilespmem:$0x10400] =	vst v63  }
0x10f: {  	_ =	swait.ge [sflag:s29], $0x8000  }
0x110: {  	[sflag:s29] =	ssyncset.done $0x0  }
0x111: {  	s10 =	rddreg [dreg:$0xa];
	[sflag:s29] =	ssyncadd.s32 $0xFFFF8000  }
0x112: {  	[tilespmem:s21], [sflag:$0x1] =	stream.linear.gather [hbm4b:s10+s3], $0x8000, $0x38;
	[tilespmem:$0x10400] =	vst v63  }
0x113: {  	_ =	swait.ge [sflag:s30], $0x8000  }
0x114: {  	[sflag:s30] =	ssyncset.done $0x0  }
0x115: {  	[sflag:s30] =	ssyncadd.s32 $0xFFFF8000  }
0x116: {  	v3 =	vld [tilespmem:$0x280];
	_ =	sdelay $0x4  }
0x117: {  	v58 =	vshll.u32 v3, $0x3  }
0x118: {  	v3 =	vand.u32 $0x7, v3;
	v4 =	vand.u32 $0xFFFFFFC0, v58  }
0x119: {  	v3 =	vor.u32 v3, v4  }
0x11a: {  	v4 =	vperm.xlane v3, v0;
	_ =	sdelay $0x1  }
0x11b: {  	v4 =	vadd.s32 v1, v4;
	_ =	sdelay $0x4  }
0x11c: {  	[hbm4b:s2+s3] =	stream.indirect_vreg.scatter [tilespmem:s11], [sflag:$0x4], $0x80, v4, vm0, $0xb8;
	[tilespmem:$0x10400] =	vst v63  }
0x11d: {  	v3 =	vperm.xlane v3, v2  }
0x11e: {  	[hbm4b:s5+s3] =	stream.indirect_vreg.scatter [tilespmem:s22], [sflag:$0x4], $0x80, v4, vm0, $0xb8;
	[tilespmem:$0x10400] =	vst v63  }
0x11f: {  	v3 =	vadd.s32 v1, v3;
	s22 =	simm.s32 $0x9400  }
0x120: {  	[hbm4b:s6+s3] =	stream.indirect_vreg.scatter [tilespmem:s22], [sflag:$0x4], $0x80, v4, vm0, $0xb8;
	[tilespmem:$0x10400] =	vst v63  }
0x121: {  	s24 =	simm.s32 $0x9C00  }
0x122: {  	[hbm4b:s7+s3] =	stream.indirect_vreg.scatter [tilespmem:s24], [sflag:$0x4], $0x80, v4, vm0, $0xb8;
	[tilespmem:$0x10400] =	vst v63  }
0x123: {  	_ = 	snop  }
0x124: {  	[hbm4b:s2+s3] =	stream.indirect_vreg.scatter [tilespmem:s26], [sflag:$0x4], $0x80, v3, vm0, $0xb8;
	[tilespmem:$0x10400] =	vst v63  }
0x125: {  	_ = 	snop  }
0x126: {  	[hbm4b:s5+s3] =	stream.indirect_vreg.scatter [tilespmem:s28], [sflag:$0x4], $0x80, v3, vm0, $0xb8;
	[tilespmem:$0x10400] =	vst v63  }
0x127: {  	_ = 	snop  }
0x128: {  	[hbm4b:s6+s3] =	stream.indirect_vreg.scatter [tilespmem:s31], [sflag:$0x4], $0x80, v3, vm0, $0xb8;
	[tilespmem:$0x10400] =	vst v63  }
0x129: {  	s0 =	simm.s32 $0xBC00  }
0x12a: {  	[hbm4b:s7+s3] =	stream.indirect_vreg.scatter [tilespmem:s0], [sflag:$0x4], $0x80, v3, vm0, $0xb8;
	[tilespmem:$0x10400] =	vst v63  }
0x12b: {  	v3 =	vld [tilespmem:$0x290];
	_ =	sdelay $0x4  }
0x12c: {  	v59 =	vshll.u32 v3, $0x3  }
0x12d: {  	v3 =	vand.u32 $0x7, v3;
	v4 =	vand.u32 $0xFFFFFFC0, v59  }
0x12e: {  	v3 =	vor.u32 v3, v4  }
0x12f: {  	v4 =	vperm.xlane v3, v0;
	_ =	sdelay $0x1  }
0x130: {  	v4 =	vadd.s32 v1, v4;
	_ =	sdelay $0x3  }
0x131: {  	s31 =	simm.s32 $0xC400  }
0x132: {  	[hbm4b:s2+s3] =	stream.indirect_vreg.scatter [tilespmem:s31], [sflag:$0x4], $0x80, v4, vm0, $0xb8;
	[tilespmem:$0x10400] =	vst v63  }
0x133: {  	v3 =	vperm.xlane v3, v2  }
0x134: {  	[hbm4b:s5+s3] =	stream.indirect_vreg.scatter [tilespmem:s20], [sflag:$0x4], $0x80, v4, vm0, $0xb8;
	[tilespmem:$0x10400] =	vst v63  }
0x135: {  	v3 =	vadd.s32 v1, v3  }
0x136: {  	[hbm4b:s6+s3] =	stream.indirect_vreg.scatter [tilespmem:s17], [sflag:$0x4], $0x80, v4, vm0, $0xb8;
	[tilespmem:$0x10400] =	vst v63  }
0x137: {  	_ = 	snop  }
0x138: {  	[hbm4b:s7+s3] =	stream.indirect_vreg.scatter [tilespmem:s16], [sflag:$0x4], $0x80, v4, vm0, $0xb8;
	[tilespmem:$0x10400] =	vst v63  }
0x139: {  	_ = 	snop  }
0x13a: {  	[hbm4b:s2+s3] =	stream.indirect_vreg.scatter [tilespmem:s18], [sflag:$0x4], $0x80, v3, vm0, $0xb8;
	[tilespmem:$0x10400] =	vst v63  }
0x13b: {  	_ = 	snop  }
0x13c: {  	[hbm4b:s5+s3] =	stream.indirect_vreg.scatter [tilespmem:s19], [sflag:$0x4], $0x80, v3, vm0, $0xb8;
	[tilespmem:$0x10400] =	vst v63  }
0x13d: {  	s1 =	simm.s32 $0xF400  }
0x13e: {  	[hbm4b:s6+s3] =	stream.indirect_vreg.scatter [tilespmem:s1], [sflag:$0x4], $0x80, v3, vm0, $0xb8;
	[tilespmem:$0x10400] =	vst v63  }
0x13f: {  	s1 =	simm.s32 $0xFC00  }
0x140: {  	[hbm4b:s7+s3] =	stream.indirect_vreg.scatter [tilespmem:s1], [sflag:$0x4], $0x80, v3, vm0, $0xb8;
	[tilespmem:$0x10400] =	vst v63  }
0x141: {  	_ =	swait.ge [sflag:s23], $0x8000  }
0x142: {  	[sflag:s23] =	ssyncset.done $0x0  }
0x143: {  	s24 =	rddreg [dreg:$0xb];
	[sflag:s23] =	ssyncadd.s32 $0xFFFF8000  }
0x144: {  	[tilespmem:s11], [sflag:$0x2] =	stream.linear.gather [hbm4b:s24+s3], $0x8000, $0x38;
	[tilespmem:$0x10400] =	vst v63  }
0x145: {  	_ =	swait.ge [sflag:s12], $0x8000  }
0x146: {  	[sflag:s12] =	ssyncset.done $0x0  }
0x147: {  	[sflag:s12] =	ssyncadd.s32 $0xFFFF8000  }
0x148: {  	v3 =	vld [tilespmem:$0x300];
	_ =	sdelay $0x4  }
0x149: {  	v60 =	vshll.u32 v3, $0x3  }
0x14a: {  	v3 =	vand.u32 $0x7, v3;
	v4 =	vand.u32 $0xFFFFFFC0, v60  }
0x14b: {  	v3 =	vor.u32 v3, v4  }
0x14c: {  	v4 =	vperm.xlane v3, v0;
	_ =	sdelay $0x1  }
0x14d: {  	v4 =	vadd.s32 v1, v4;
	_ =	sdelay $0x4  }
0x14e: {  	[hbm4b:s2+s3] =	stream.indirect_vreg.scatter [tilespmem:s21], [sflag:$0x3], $0x80, v4, vm0, $0xb8;
	[tilespmem:$0x10400] =	vst v63  }
0x14f: {  	s24 =	simm.s32 $0xC00;
	v3 =	vperm.xlane v3, v2  }
0x150: {  	[hbm4b:s5+s3] =	stream.indirect_vreg.scatter [tilespmem:s24], [sflag:$0x3], $0x80, v4, vm0, $0xb8;
	[tilespmem:$0x10400] =	vst v63  }
0x151: {  	v3 =	vadd.s32 v1, v3;
	s24 =	simm.s32 $0x1400  }
0x152: {  	[hbm4b:s6+s3] =	stream.indirect_vreg.scatter [tilespmem:s24], [sflag:$0x3], $0x80, v4, vm0, $0xb8;
	[tilespmem:$0x10400] =	vst v63  }
0x153: {  	s24 =	simm.s32 $0x1C00  }
0x154: {  	[hbm4b:s7+s3] =	stream.indirect_vreg.scatter [tilespmem:s24], [sflag:$0x3], $0x80, v4, vm0, $0xb8;
	[tilespmem:$0x10400] =	vst v63  }
0x155: {  	s24 =	simm.s32 $0x2400  }
0x156: {  	[hbm4b:s2+s3] =	stream.indirect_vreg.scatter [tilespmem:s24], [sflag:$0x3], $0x80, v3, vm0, $0xb8;
	[tilespmem:$0x10400] =	vst v63  }
0x157: {  	s24 =	simm.s32 $0x2C00  }
0x158: {  	[hbm4b:s5+s3] =	stream.indirect_vreg.scatter [tilespmem:s24], [sflag:$0x3], $0x80, v3, vm0, $0xb8;
	[tilespmem:$0x10400] =	vst v63  }
0x159: {  	s24 =	simm.s32 $0x3400  }
0x15a: {  	[hbm4b:s6+s3] =	stream.indirect_vreg.scatter [tilespmem:s24], [sflag:$0x3], $0x80, v3, vm0, $0xb8;
	[tilespmem:$0x10400] =	vst v63  }
0x15b: {  	s24 =	simm.s32 $0x3C00  }
0x15c: {  	[hbm4b:s7+s3] =	stream.indirect_vreg.scatter [tilespmem:s24], [sflag:$0x3], $0x80, v3, vm0, $0xb8;
	[tilespmem:$0x10400] =	vst v63  }
0x15d: {  	v3 =	vld [tilespmem:$0x310];
	_ =	sdelay $0x4  }
0x15e: {  	v61 =	vshll.u32 v3, $0x3  }
0x15f: {  	v3 =	vand.u32 $0x7, v3;
	v4 =	vand.u32 $0xFFFFFFC0, v61  }
0x160: {  	v3 =	vor.u32 v3, v4  }
0x161: {  	v4 =	vperm.xlane v3, v0;
	_ =	sdelay $0x1  }
0x162: {  	v4 =	vadd.s32 v1, v4;
	_ =	sdelay $0x3  }
0x163: {  	s24 =	simm.s32 $0x4400  }
0x164: {  	[hbm4b:s2+s3] =	stream.indirect_vreg.scatter [tilespmem:s24], [sflag:$0x3], $0x80, v4, vm0, $0xb8;
	[tilespmem:$0x10400] =	vst v63  }
0x165: {  	s15 =	simm.s32 $0x4C00;
	v3 =	vperm.xlane v3, v2  }
0x166: {  	[hbm4b:s5+s3] =	stream.indirect_vreg.scatter [tilespmem:s15], [sflag:$0x3], $0x80, v4, vm0, $0xb8;
	[tilespmem:$0x10400] =	vst v63  }
0x167: {  	v3 =	vadd.s32 v1, v3;
	s24 =	simm.s32 $0x5400  }
0x168: {  	[hbm4b:s6+s3] =	stream.indirect_vreg.scatter [tilespmem:s24], [sflag:$0x3], $0x80, v4, vm0, $0xb8;
	[tilespmem:$0x10400] =	vst v63  }
0x169: {  	s24 =	simm.s32 $0x5C00  }
0x16a: {  	[hbm4b:s7+s3] =	stream.indirect_vreg.scatter [tilespmem:s24], [sflag:$0x3], $0x80, v4, vm0, $0xb8;
	[tilespmem:$0x10400] =	vst v63  }
0x16b: {  	s24 =	simm.s32 $0x6400  }
0x16c: {  	[hbm4b:s2+s3] =	stream.indirect_vreg.scatter [tilespmem:s24], [sflag:$0x3], $0x80, v3, vm0, $0xb8;
	[tilespmem:$0x10400] =	vst v63  }
0x16d: {  	s13 =	simm.s32 $0x6C00  }
0x16e: {  	[hbm4b:s5+s3] =	stream.indirect_vreg.scatter [tilespmem:s13], [sflag:$0x3], $0x80, v3, vm0, $0xb8;
	[tilespmem:$0x10400] =	vst v63  }
0x16f: {  	s14 =	simm.s32 $0x7400  }
0x170: {  	[hbm4b:s6+s3] =	stream.indirect_vreg.scatter [tilespmem:s14], [sflag:$0x3], $0x80, v3, vm0, $0xb8;
	[tilespmem:$0x10400] =	vst v63  }
0x171: {  	s24 =	simm.s32 $0x7C00  }
0x172: {  	[hbm4b:s7+s3] =	stream.indirect_vreg.scatter [tilespmem:s24], [sflag:$0x3], $0x80, v3, vm0, $0xb8;
	[tilespmem:$0x10400] =	vst v63  }
0x173: {  	_ =	swait.ge [sflag:s30], $0x8000  }
0x174: {  	[sflag:s30] =	ssyncset.done $0x0  }
0x175: {  	[sflag:s30] =	ssyncadd.s32 $0xFFFF8000  }
0x176: {  	v3 =	vld [tilespmem:$0x380];
	_ =	sdelay $0x4  }
0x177: {  	v62 =	vshll.u32 v3, $0x3  }
0x178: {  	v3 =	vand.u32 $0x7, v3;
	v4 =	vand.u32 $0xFFFFFFC0, v62  }
0x179: {  	v3 =	vor.u32 v3, v4  }
0x17a: {  	v4 =	vperm.xlane v3, v0;
	_ =	sdelay $0x1  }
0x17b: {  	v4 =	vadd.s32 v1, v4;
	_ =	sdelay $0x4  }
0x17c: {  	[hbm4b:s2+s3] =	stream.indirect_vreg.scatter [tilespmem:s11], [sflag:$0x4], $0x80, v4, vm0, $0xb8;
	[tilespmem:$0x10400] =	vst v63  }
0x17d: {  	s25 =	simm.s32 $0x8C00;
	v3 =	vperm.xlane v3, v2  }
0x17e: {  	[hbm4b:s5+s3] =	stream.indirect_vreg.scatter [tilespmem:s25], [sflag:$0x4], $0x80, v4, vm0, $0xb8;
	[tilespmem:$0x10400] =	vst v63  }
0x17f: {  	s10 =	simm.s32 $0x9400;
	v3 =	vadd.s32 v1, v3  }
0x180: {  	[hbm4b:s6+s3] =	stream.indirect_vreg.scatter [tilespmem:s10], [sflag:$0x4], $0x80, v4, vm0, $0xb8;
	[tilespmem:$0x10400] =	vst v63  }
0x181: {  	s9 =	simm.s32 $0x9C00  }
0x182: {  	[hbm4b:s7+s3] =	stream.indirect_vreg.scatter [tilespmem:s9], [sflag:$0x4], $0x80, v4, vm0, $0xb8;
	[tilespmem:$0x10400] =	vst v63  }
0x183: {  	s22 =	simm.s32 $0xA400  }
0x184: {  	[hbm4b:s2+s3] =	stream.indirect_vreg.scatter [tilespmem:s22], [sflag:$0x4], $0x80, v3, vm0, $0xb8;
	[tilespmem:$0x10400] =	vst v63  }
0x185: {  	s26 =	simm.s32 $0xAC00  }
0x186: {  	[hbm4b:s5+s3] =	stream.indirect_vreg.scatter [tilespmem:s26], [sflag:$0x4], $0x80, v3, vm0, $0xb8;
	[tilespmem:$0x10400] =	vst v63  }
0x187: {  	s28 =	simm.s32 $0xB400  }
0x188: {  	[hbm4b:s6+s3] =	stream.indirect_vreg.scatter [tilespmem:s28], [sflag:$0x4], $0x80, v3, vm0, $0xb8;
	[tilespmem:$0x10400] =	vst v63  }
0x189: {  	_ = 	snop  }
0x18a: {  	[hbm4b:s7+s3] =	stream.indirect_vreg.scatter [tilespmem:s0], [sflag:$0x4], $0x80, v3, vm0, $0xb8;
	[tilespmem:$0x10400] =	vst v63  }
0x18b: {  	v3 =	vld [tilespmem:$0x390];
	_ =	sdelay $0x4  }
0x18c: {  	v63 =	vshll.u32 v3, $0x3  }
0x18d: {  	v3 =	vand.u32 $0x7, v3;
	v4 =	vand.u32 $0xFFFFFFC0, v63  }
0x18e: {  	v3 =	vor.u32 v3, v4  }
0x18f: {  	v4 =	vperm.xlane v3, v0;
	_ =	sdelay $0x1  }
0x190: {  	v4 =	vadd.s32 v1, v4;
	_ =	sdelay $0x3  }
0x191: {  	s4 =	simm.s32 $0xC400  }
0x192: {  	[hbm4b:s2+s3] =	stream.indirect_vreg.scatter [tilespmem:s4], [sflag:$0x4], $0x80, v4, vm0, $0xb8;
	[tilespmem:$0x10400] =	vst v63  }
0x193: {  	s20 =	simm.s32 $0xCC00;
	v3 =	vperm.xlane v3, v2  }
0x194: {  	[hbm4b:s5+s3] =	stream.indirect_vreg.scatter [tilespmem:s20], [sflag:$0x4], $0x80, v4, vm0, $0xb8;
	[tilespmem:$0x10400] =	vst v63  }
0x195: {  	s17 =	simm.s32 $0xD400;
	v3 =	vadd.s32 v1, v3  }
0x196: {  	[hbm4b:s6+s3] =	stream.indirect_vreg.scatter [tilespmem:s17], [sflag:$0x4], $0x80, v4, vm0, $0xb8;
	[tilespmem:$0x10400] =	vst v63  }
0x197: {  	s16 =	simm.s32 $0xDC00  }
0x198: {  	[hbm4b:s7+s3] =	stream.indirect_vreg.scatter [tilespmem:s16], [sflag:$0x4], $0x80, v4, vm0, $0xb8;
	[tilespmem:$0x10400] =	vst v63  }
0x199: {  	s18 =	simm.s32 $0xE400  }
0x19a: {  	[hbm4b:s2+s3] =	stream.indirect_vreg.scatter [tilespmem:s18], [sflag:$0x4], $0x80, v3, vm0, $0xb8;
	[tilespmem:$0x10400] =	vst v63  }
0x19b: {  	s19 =	simm.s32 $0xEC00  }
0x19c: {  	[hbm4b:s5+s3] =	stream.indirect_vreg.scatter [tilespmem:s19], [sflag:$0x4], $0x80, v3, vm0, $0xb8;
	[tilespmem:$0x10400] =	vst v63  }
0x19d: {  	s31 =	simm.s32 $0xF400  }
0x19e: {  	[hbm4b:s6+s3] =	stream.indirect_vreg.scatter [tilespmem:s31], [sflag:$0x4], $0x80, v3, vm0, $0xb8;
	[tilespmem:$0x10400] =	vst v63  }
0x19f: {  	_ = 	snop  }
0x1a0: {  	[hbm4b:s7+s3] =	stream.indirect_vreg.scatter [tilespmem:s1], [sflag:$0x4], $0x80, v3, vm0, $0xb8;
	[tilespmem:$0x10400] =	vst v63  }
0x1a1: {  	p0 =	sne.s32 s8, $0x1;
	_ =	swait.ge [sflag:s29], $0x8000  }
.Ltmp0:
0x1a2: {  	[sflag:s29] =	ssyncset.done $0x0;
	(pc) =	sbr.rel @p0 .LBB2_1-.Ltmp0, $4  }
0x1a3: {  	[sflag:s29] =	ssyncadd.s32 $0xFFFF8000  }
0x1a4: {  	_ =	swait.ge [sflag:s23], $0x8000  }
0x1a5: {  	[sflag:s23] =	ssyncset.done $0x0  }
0x1a6: {  	s8 =	sadd.s32 $0xFFFFFFFF, s8;
	[sflag:s23] =	ssyncadd.s32 $0xFFFF8000  }
0x1a7: {  	_ =	sfence.sel $0x180000  }
0x1a8: {  	[bflag:$0x0] =	sbarrier.arrive $0xFFFF  }
0x1a9: {  	_ =	strace $0x90000047  }
0x1aa: {  	s0 =	stileid.u32;
	[bflag:$0x2] =	sbarrier.arrive $0xFFFF  }
0x1ab: {  	p0 =	sne.s32 s0, $0x0;
	s0 =	rddreg [dreg:$0x3]  }
0x1ac: {  	s0 =	sadd.s32 @!p0 $0x100000, s0  }
0x1ad: {  	[sflag:s0] =	ssyncadd.tile.s32 @!p0 $0x1;
	_ =	shalt  }
.Lfunc_end2:
_tile_overlayer_lowered:
.L_overlay_start_2:
0x1ae: {  	(tag) =	ssettag $0x2  }
0x1af: {  	s0 =	rddreg [dreg:$0x0];
	s2 =	stileid.u32  }
0x1b0: {  	s1 =	rddreg [dreg:$0x1];
	p0 =	sne.s32 s2, $0x0  }
0x1b1: {  	s3 =	rddreg [dreg:$0x2];
	[bflag:$0x3] =	sbarrier.arrive $0xFFFF;
	s2 =	simm.s32 @!p0 $0x1C05  }
0x1b2: {  	[timem:s3], [sflag:s2] =	dma.local @!p0 [hbm:s0], s1  }
0x1b3: {  	s0 =	simm.s32 @!p0 $0x5  }
0x1b4: {  	_ =	swait.ge @!p0 [sflag:s0], s1  }
0x1b5: {  	s1 =	ssub.s32 @!p0 $0x0, s1;
	[sflag:s0] =	ssyncset.done @!p0 $0x0  }
0x1b6: {  	[sflag:s0] =	ssyncadd.s32 @!p0 s1  }
0x1b7: {  	[bflag:$0x3] =	sbarrier.arrive $0xFFFF  }
0x1b8: {  	_ =	shalt  }

// kernel: kernel.8.cloned.1.call-start
scs
__scs_entry_jumppad:
0x0: {  	(pc) =	sbr.rel $0x88, $3  }
0x1: {  	(tag) =	ssettag $0x0;
	lr =	simm.s32 $0x1  }
0x2: {  	[smem:$0x3F9E] =	sst lr;
	_ =	strace $0xD0000000  }
0x3: {  	_ = 	snop  }
0x4: {  	_ = 	snop  }
0x5: {  	_ = 	snop  }
0x6: {  	_ = 	snop  }
0x7: {  	_ = 	snop  }
__scs_overlays_trampoline_lowered:
0x8: {  	[smem:$0x3FAD] =	sst s0  }
0x9: {  	[smem:$0x3FAE] =	sst s1  }
0xa: {  	[smem:$0x3FAF] =	sst s2  }
0xb: {  	[smem:$0x3FB0] =	sst s3  }
0xc: {  	[smem:$0x3FB1] =	sst s4  }
0xd: {  	[smem:$0x3FB2] =	sst s5  }
0xe: {  	[smem:$0x3FB3] =	sst s6  }
0xf: {  	[smem:$0x3FB4] =	sst s7  }
0x10: {  	[smem:$0x3FB5] =	sst s8  }
0x11: {  	[smem:$0x3FB6] =	sst s9;
	s0 =	simm.s32 @!p0 $0x0  }
0x12: {  	s1 =	sld [smem:$0x3F9C];
	s0 =	simm.s32 @p0 $0x1  }
0x13: {  	[smem:$0x3FB7] =	sst s0;
	s0 =	simm.s32 @!p1 $0x0  }
0x14: {  	s2 =	sld [smem:$0x3F9B];
	s0 =	simm.s32 @p1 $0x1  }
0x15: {  	[smem:$0x3FB8] =	sst s0;
	s0 =	simm.s32 @!p2 $0x0  }
0x16: {  	s3 =	sld [smem:$0x3FDB];
	s0 =	simm.s32 @p2 $0x1  }
0x17: {  	s4 =	simm.s32 $0x1BF5;
	[smem:$0x3FBA] =	sst s0  }
0x18: {  	s0 =	sld [smem:$0x3F9D];
	_ =	swait.ge [sflag:s4], $0x0  }
0x19: {  	s7 =	sld [smem:$0x3F9E]  }
0x1a: {  	s8 =	sadd.s32 $0xFFFFE003, lr  }
0x1b: {  	s9 =	sadd.s32 $0xFFFFFEF7, lr;
	s5 =	simm.s32 $0xFFFFFFFF;
	p2 =	slt.u32 s8, $0xFFFFF086  }
0x1c: {  	p1 =	slt.u32 s9, $0xF7A;
	s5 =	simm.s32 @!p2 $0x0  }
0x1d: {  	s5 =	simm.s32 @p1 $0x1;
	p0 =	seq.s32 s7, s2  }
0x1e: {  	s7 =	smul.u32 @!p0 $0xF7A, s2;
	p2 =	seq.s32 @!p0 s5, $0x0  }
0x1f: {  	s9 =	smul.u32 $0xF7A, s1;
	s8 =	simm.s32 @!p0 $0x1BF5;
	p2 =	por !p2, p0  }
0x20: {  	[sflag:s8] =	ssyncset.s32 @!p0 $0xFFFFF086;
	s6 =	sadd.s32 @!p0 s3, s7;
	s7 =	simm.s32 @!p0 $0x108  }
0x21: {  	s3 =	sadd.s32 s3, s9;
	s6 =	sadd.s32 @!p0 $0x88, s6;
	s7 =	simm.s32 @p2 $0x1082  }
0x22: {  	[simem:s7], [sflag:s8] =	dma.local @!p0 [hbm:s6], $0xF7A  }
0x23: {  	s9 =	sor.u32 $0xD0000000, s2;
	s6 =	simm.s32 $0x108;
	_ =	swait.ge @!p0 [sflag:s8], $0x0  }
0x24: {  	s3 =	sadd.s32 $0x88, s3;
	s6 =	simm.s32 @!p1 $0x1082;
	[sflag:s4] =	ssyncset.s32 $0xFFFFF086  }
0x25: {  	[simem:s6], [sflag:s4] =	dma.local [hbm:s3], $0xF7A  }
0x26: {  	[smem:$0x3F9E] =	sst s1;
	(tag) =	ssettag s2;
	_ =	strace s9  }
0x27: {  	s1 =	sld [smem:$0x3FAE]  }
0x28: {  	s2 =	sld [smem:$0x3FAF]  }
0x29: {  	s4 =	sld [smem:$0x3FB1]  }
0x2a: {  	p0 =	seq.s32 s5, $0x0;
	s5 =	sld [smem:$0x3FB2]  }
0x2b: {  	s6 =	sld [smem:$0x3FB3]  }
0x2c: {  	s7 =	sld [smem:$0x3FB4]  }
0x2d: {  	s3 =	simm.s32 $0x108;
	s8 =	sld [smem:$0x3FB5]  }
0x2e: {  	s3 =	simm.s32 @!p0 $0x1082;
	s9 =	sld [smem:$0x3FB6]  }
0x2f: {  	lr =	sadd.s32 s0, s3;
	s0 =	sld [smem:$0x3FAD]  }
0x30: {  	s3 =	sld [smem:$0x3FB0]  }
0x31: {  	[smem:$0x3FB9] =	sst s10  }
0x32: {  	s10 =	sld [smem:$0x3FB7];
	_ =	sdelay $0x3  }
0x33: {  	p0 =	seq.s32 s10, $0x1;
	s10 =	sld [smem:$0x3FB9];
	_ =	sdelay $0x3  }
0x34: {  	[smem:$0x3FB9] =	sst s10  }
0x35: {  	s10 =	sld [smem:$0x3FB8];
	_ =	sdelay $0x3  }
0x36: {  	p1 =	seq.s32 s10, $0x1;
	s10 =	sld [smem:$0x3FB9];
	_ =	sdelay $0x3  }
0x37: {  	[smem:$0x3FB9] =	sst s10  }
0x38: {  	s10 =	sld [smem:$0x3FBA]  }
0x39: {  	_ = 	snop;
	(pc) =	sbr.ind lr, $3  }
0x3a: {  	_ = 	snop  }
0x3b: {  	_ = 	snop  }
0x3c: {  	p2 =	seq.s32 s10, $0x1;
	s10 =	sld [smem:$0x3FB9]  }
0x3d: {  	_ =	shalt  }
0x3e: {  	_ =	shalt  }
0x3f: {  	_ =	shalt  }
0x40: {  	_ =	shalt  }
0x41: {  	_ =	shalt  }
0x42: {  	_ =	shalt  }
0x43: {  	_ =	shalt  }
0x44: {  	_ =	shalt  }
0x45: {  	_ =	shalt  }
0x46: {  	_ =	shalt  }
0x47: {  	_ =	shalt  }
0x48: {  	_ =	shalt  }
0x49: {  	_ =	shalt  }
0x4a: {  	_ =	shalt  }
0x4b: {  	_ =	shalt  }
0x4c: {  	_ =	shalt  }
0x4d: {  	_ =	shalt  }
0x4e: {  	_ =	shalt  }
0x4f: {  	_ =	shalt  }
0x50: {  	_ =	shalt  }
0x51: {  	_ =	shalt  }
0x52: {  	_ =	shalt  }
0x53: {  	_ =	shalt  }
0x54: {  	_ =	shalt  }
0x55: {  	_ =	shalt  }
0x56: {  	_ =	shalt  }
0x57: {  	_ =	shalt  }
0x58: {  	_ =	shalt  }
0x59: {  	_ =	shalt  }
0x5a: {  	_ =	shalt  }
0x5b: {  	_ =	shalt  }
0x5c: {  	_ =	shalt  }
0x5d: {  	_ =	shalt  }
0x5e: {  	_ =	shalt  }
0x5f: {  	_ =	shalt  }
0x60: {  	_ =	shalt  }
0x61: {  	_ =	shalt  }
0x62: {  	_ =	shalt  }
0x63: {  	_ =	shalt  }
0x64: {  	_ =	shalt  }
0x65: {  	_ =	shalt  }
0x66: {  	_ =	shalt  }
0x67: {  	_ =	shalt  }
0x68: {  	_ =	shalt  }
0x69: {  	_ =	shalt  }
0x6a: {  	_ =	shalt  }
0x6b: {  	_ =	shalt  }
0x6c: {  	_ =	shalt  }
0x6d: {  	_ =	shalt  }
0x6e: {  	_ =	shalt  }
0x6f: {  	_ =	shalt  }
0x70: {  	_ =	shalt  }
0x71: {  	_ =	shalt  }
0x72: {  	_ =	shalt  }
0x73: {  	_ =	shalt  }
0x74: {  	_ =	shalt  }
0x75: {  	_ =	shalt  }
0x76: {  	_ =	shalt  }
0x77: {  	_ =	shalt  }
0x78: {  	_ =	shalt  }
0x79: {  	_ =	shalt  }
0x7a: {  	_ =	shalt  }
0x7b: {  	_ =	shalt  }
0x7c: {  	_ =	shalt  }
0x7d: {  	_ =	shalt  }
0x7e: {  	_ =	shalt  }
0x7f: {  	_ =	shalt  }
0x80: {  	_ =	shalt  }
0x81: {  	_ =	shalt  }
0x82: {  	_ =	shalt  }
0x83: {  	_ =	shalt  }
0x84: {  	_ =	shalt  }
0x85: {  	_ =	shalt  }
0x86: {  	_ =	shalt  }
0x87: {  	_ =	shalt  }
.Lfunc_end0:
.L_simem_size_0:
called_computation.1_lowered:
.L_overlay_start_0:
0x88: {  	s2 =	sld [smem:$0x3FD9]  }
0x89: {  	s3 =	sld [smem:$0x3FFE];
	_ =	sdelay $0x1  }
0x8a: {  	s1 =	srdreg.scid  }
0x8b: {  	s0 =	sand.u32 $0x1, s1  }
0x8c: {  	s17 =	sshll.u32 s0, $0xA;
	s2 =	sadd.s32 s3, s2  }
0x8d: {  	s2 =	sadd.s32 s2, s17  }
0x8e: {  	[smem:$0x3FC5] =	sst s2  }
0x8f: {  	_ = 	snop  }
0x90: {  	s2 =	sld [smem:$0x3FD0];
	(tm) =	ssettm $0x1  }
0x91: {  	s18 =	sld [smem:$0x3FFB];
	_ =	sdelay $0x3  }
0x92: {  	_ =	strace s18  }
0x93: {  	s3 =	sld [smem:$0x3FFC];
	_ =	sdelay $0x3  }
0x94: {  	_ =	strace s3  }
0x95: {  	s3 =	sld [smem:$0x3FFD];
	_ =	sdelay $0x3  }
0x96: {  	_ =	strace s3  }
0x97: {  	_ =	strace $0x8FFFFFFF  }
0x98: {  	s19 =	sld [smem:$0x3FDB];
	_ =	sdelay $0x1  }
0x99: {  	s4 =	simm.s32 $_scs_section_size  }
0x9a: {  	s5 =	simm.s32 $_size__tile_overlayer_lowered;
	s6 =	simm.s32 $_tile_overlayer_lowered  }
0x9b: {  	s22 =	simm.s32 $0x1BFF;
	s21 =	sshll.u32 s6, $0x1;
	s3 =	sadd.s32 s4, s19  }
0x9c: {  	s7 =	simm.s32 $0x0;
	s20 =	sshll.u32 s5, $0x1;
	s5 =	sadd.s32 s21, s3  }
0x9d: {  	[timem:s7], [sflag:s22] =	dma.local [hbm:s5], s20  }
0x9e: {  	_ =	swait.ge [sflag:s22], s20  }
0x9f: {  	s4 =	ssub.s32 $0x0, s20;
	[sflag:s22] =	ssyncset.done $0x0  }
0xa0: {  	[sflag:s22] =	ssyncadd.s32 s4;
	_ =	sdelay $0x1  }
0xa1: {  	s23 =	simm.s32 $0x1B8B  }
0xa2: {  	_ =	swait.ge [sflag:s23], $0x1  }
0xa3: {  	[sflag:s23] =	ssyncset.done $0x0  }
0xa4: {  	s25 =	simm.s32 $0x1B8E;
	s24 =	sld [smem:$0x3FFE];
	[sflag:s23] =	ssyncadd.s32 $0xFFFFFFFF  }
0xa5: {  	s26 =	simm.s32 $execute0_lowered;
	[smem:$0x3FD2] =	sst s25  }
0xa6: {  	s5 =	sshll.u32 s26, $0x1;
	_ =	strace $0x80000049;
	[dreg:$0x1] =	wrdreg $0xFFFFFFFF  }
0xa7: {  	s28 =	simm.s32 $_size_execute0_lowered;
	s3 =	sadd.s32 s3, s5;
	[dreg:$0x0] =	wrdreg $0x0  }
0xa8: {  	s5 =	sshll.u32 s28, $0x1;
	[dreg:$0x2] =	wrdreg s3  }
0xa9: {  	[dreg:$0x3] =	wrdreg s5  }
0xaa: {  	[dreg:$0x4] =	wrdreg $0xC0  }
0xab: {  	_ =	task [dreg:s7], $0x5FFFF  }
0xac: {  	[dreg:$0x1] =	wrdreg $0xFFFFFFFF  }
0xad: {  	[dreg:$0x0] =	wrdreg $0x60  }
0xae: {  	[dreg:$0x2] =	wrdreg s24  }
0xaf: {  	[dreg:$0x3] =	wrdreg s2  }
0xb0: {  	[dreg:$0x4] =	wrdreg $0x9  }
0xb1: {  	_ =	task.clear_ibuf [dreg:s7], $0x5FFFF;
	_ =	strace $0x90000049  }
0xb2: {  	s29 =	simm.s32 $0x9;
	_ =	strace $0x8000004B  }
0xb3: {  	_ =	swait.ge [sflag:s29], $0x1  }
0xb4: {  	[sflag:s29] =	ssyncadd.s32 $0xFFFFFFFF  }
0xb5: {  	_ =	strace $0x9000004B  }
0xb6: {  	_ =	sfence  }
0xb7: {  	s30 =	sld [smem:$0x0];
	_ =	sdelay $0x2  }
0xb8: {  	s31 =	sshll.u32 s1, $0xD;
	s1 =	sshrl.u32 s1, $0x2  }
0xb9: {  	s3 =	sand.u32 $0x4000, s31;
	s1 =	sadd.s32 s1, s30  }
0xba: {  	s0 =	sor.u32 s3, s0;
	s1 =	sshll.u32 s1, $0x11  }
0xbb: {  	s0 =	sor.u32 s1, s0  }
0xbc: {  	s0 =	sadd.s32 $0x8F2B, s0  }
0xbd: {  	[sflag:s0] =	ssyncadd.remote.s32 $0x1  }
0xbe: {  	_ =	sfence.sel $0xFFFF  }
0xbf: {  	[dreg:$0x0] =	wrdreg $0xFFFFFFFF;
	(pc) =	sbr.abs _section_cstart, $3  }
0xc0: {  	[dreg:$0x1] =	wrdreg $0xFFFFFFFF  }
0xc1: {  	_ =	task.clear_ibuf [dreg:s7], $0x2FFFF;
	_ =	strace $0x9FFFFFFF  }
0xc2: {  	(tm) =	ssettm $0x7FFFFFFF  }
0xc3: {  	_ =	shalt  }
tec
execute0_lowered:
.L_overlay_start_1:
0x0: {  	(tag) =	ssettag $0x1  }
0x1: {  	s1 =	srdreg.scid;
	s2 =	rddreg [dreg:$0x0]  }
0x2: {  	s0 =	stileid.u32;
	s5 =	rddreg [dreg:$0x1];
	s19 =	simm.s32 $0x900  }
0x3: {  	s20 =	simm.s32 $0x1100;
	s21 =	simm.s32 $0x1900;
	s23 =	simm.s32 $0x2100  }
0x4: {  	s24 =	simm.s32 $0x2900;
	s25 =	simm.s32 $0x3100;
	s26 =	simm.s32 $0x3900  }
0x5: {  	s8 =	simm.s32 $0x4900;
	s9 =	simm.s32 $0x5100;
	s10 =	simm.s32 $0x5900  }
0x6: {  	s11 =	simm.s32 $0x6100;
	s12 =	simm.s32 $0x6900;
	s13 =	simm.s32 $0x7100  }
0x7: {  	s14 =	simm.s32 $0x7900;
	s15 =	simm.s32 $0x8100;
	s1 =	sand.u32 $0x1, s1  }
0x8: {  	s16 =	simm.s32 $0x8900;
	s3 =	sshll.u32 s0, $0x9;
	s4 =	sshll.u32 s1, $0x8  }
0x9: {  	s17 =	simm.s32 $0x9100;
	s4 =	sor.u32 s4, s3;
	s3 =	simm.s32 $0x0  }
0xa: {  	s18 =	simm.s32 $0x9900;
	s28 =	simm.s32 $0xE100;
	[smem:$0x7FF] =	sst s3  }
0xb: {  	s29 =	simm.s32 $0xE900;
	_ =	strace $0x8000004A;
	[dreg:$0x5] =	wrdreg s19  }
0xc: {  	s30 =	simm.s32 $0xF100;
	s1 =	ssub.s32 $0x2, s1;
	[dreg:$0x6] =	wrdreg s20  }
0xd: {  	s31 =	simm.s32 $0xF900;
	s22 =	sshrl.u32 s1, $0x1;
	[dreg:$0x7] =	wrdreg s21  }
0xe: {  	s6 =	sshrl.u32 s4, $0x3;
	s4 =	sshll.u32 s4, $0x5;
	[dreg:$0x8] =	wrdreg s23  }
0xf: {  	s1 =	ssub.s32 s1, s22;
	s22 =	simm.s32 $0xB900;
	[dreg:$0x9] =	wrdreg s24  }
0x10: {  	s6 =	sadd.s32 s6, s2;
	s4 =	sadd.s32 s5, s4;
	[dreg:$0xa] =	wrdreg s25  }
0x11: {  	s5 =	simm.s32 $0x2;
	[dreg:$0xb] =	wrdreg s26;
	s19 =	simm.s32 $0xA100  }
0x12: {  	s20 =	simm.s32 $0xA900;
	s21 =	simm.s32 $0xB100;
	s23 =	simm.s32 $0xC100  }
0x13: {  	v2 =	vlaneseq.u32;
	s24 =	simm.s32 $0xC900;
	s25 =	simm.s32 $0xD100;
	s26 =	simm.s32 $0xD900  }
0x14: {  	vm0 =	vmmov $0xffff;
	v1 =	vshrl.u32 v2, $0x3;
	s6 =	sadd.s32 $0x100000, s6;
	[dreg:$0x4] =	wrdreg s4;
	s4 =	smax.u32 s1, $0x1  }
0x15: {  	v0 =	vand.u32 $0x7, v2;
	v2 =	vor.u32 $0x8, v2;
	v1 =	vmul.u32 $0x8, v1;
	s1 =	simm.s32 $0x1;
	[dreg:$0x3] =	wrdreg s6;
	s6 =	simm.s32 $0x100  }
.LBB2_1:
0x16: {  	s0 =	rddreg [dreg:$0x3]  }
0x17: {  	[tilespmem:s3], [sflag:$0x2] =	stream.linear.gather [hbm4b:s0+s3], $0x100, $0x38;
	[tilespmem:$0x10100] =	vst v63  }
0x18: {  	_ =	swait.ge [sflag:s5], $0x100  }
0x19: {  	[sflag:s5] =	ssyncset.done $0x0  }
0x1a: {  	[sflag:s5] =	ssyncadd.s32 $0xFFFFFF00  }
0x1b: {  	v3 =	vld [tilespmem:$0x0];
	_ =	sdelay $0x4  }
0x1c: {  	v4 =	vshll.u32 v3, $0x1  }
0x1d: {  	v3 =	vand.u32 $0x7, v3;
	v4 =	vand.u32 $0xFFFFFFF0, v4  }
0x1e: {  	v3 =	vor.u32 v3, v4  }
0x1f: {  	v4 =	vperm.xlane v3, v0;
	_ =	sdelay $0x1  }
0x20: {  	v3 =	vperm.xlane v3, v2;
	v4 =	vadd.s32 v1, v4;
	_ =	sdelay $0x1  }
0x21: {  	v3 =	vadd.s32 v1, v3;
	_ =	sdelay $0x2  }
0x22: {  	[tilespmem:s6], [sflag:$0x1] =	stream.indirect_vreg.gather [hbm4b:s2+s3], $0x80, v4, vm0, $0xb8;
	[tilespmem:$0x10100] =	vst v63  }
0x23: {  	s7 =	rddreg [dreg:$0x5]  }
0x24: {  	[tilespmem:s7], [sflag:$0x1] =	stream.indirect_vreg.gather [hbm4b:s2+s3], $0x80, v3, vm0, $0xb8;
	[tilespmem:$0x10100] =	vst v63  }
0x25: {  	v3 =	vld [tilespmem:$0x10];
	_ =	sdelay $0x4  }
0x26: {  	v49 =	vshll.u32 v3, $0x1  }
0x27: {  	v3 =	vand.u32 $0x7, v3;
	v4 =	vand.u32 $0xFFFFFFF0, v49  }
0x28: {  	v3 =	vor.u32 v3, v4  }
0x29: {  	v4 =	vperm.xlane v3, v0;
	_ =	sdelay $0x1  }
0x2a: {  	v3 =	vperm.xlane v3, v2;
	v4 =	vadd.s32 v1, v4;
	_ =	sdelay $0x1  }
0x2b: {  	v3 =	vadd.s32 v1, v3;
	_ =	sdelay $0x1  }
0x2c: {  	s0 =	rddreg [dreg:$0x6]  }
0x2d: {  	[tilespmem:s0], [sflag:$0x1] =	stream.indirect_vreg.gather [hbm4b:s2+s3], $0x80, v4, vm0, $0xb8;
	[tilespmem:$0x10100] =	vst v63  }
0x2e: {  	s7 =	rddreg [dreg:$0x7]  }
0x2f: {  	[tilespmem:s7], [sflag:$0x1] =	stream.indirect_vreg.gather [hbm4b:s2+s3], $0x80, v3, vm0, $0xb8;
	[tilespmem:$0x10100] =	vst v63  }
0x30: {  	v3 =	vld [tilespmem:$0x20];
	_ =	sdelay $0x4  }
0x31: {  	v50 =	vshll.u32 v3, $0x1  }
0x32: {  	v3 =	vand.u32 $0x7, v3;
	v4 =	vand.u32 $0xFFFFFFF0, v50  }
0x33: {  	v3 =	vor.u32 v3, v4  }
0x34: {  	v4 =	vperm.xlane v3, v0;
	_ =	sdelay $0x1  }
0x35: {  	v3 =	vperm.xlane v3, v2;
	v4 =	vadd.s32 v1, v4;
	_ =	sdelay $0x1  }
0x36: {  	v3 =	vadd.s32 v1, v3;
	_ =	sdelay $0x1  }
0x37: {  	s0 =	rddreg [dreg:$0x8]  }
0x38: {  	[tilespmem:s0], [sflag:$0x1] =	stream.indirect_vreg.gather [hbm4b:s2+s3], $0x80, v4, vm0, $0xb8;
	[tilespmem:$0x10100] =	vst v63  }
0x39: {  	s7 =	rddreg [dreg:$0x9]  }
0x3a: {  	[tilespmem:s7], [sflag:$0x1] =	stream.indirect_vreg.gather [hbm4b:s2+s3], $0x80, v3, vm0, $0xb8;
	[tilespmem:$0x10100] =	vst v63  }
0x3b: {  	v3 =	vld [tilespmem:$0x30];
	_ =	sdelay $0x4  }
0x3c: {  	v51 =	vshll.u32 v3, $0x1  }
0x3d: {  	v3 =	vand.u32 $0x7, v3;
	v4 =	vand.u32 $0xFFFFFFF0, v51  }
0x3e: {  	v3 =	vor.u32 v3, v4  }
0x3f: {  	v4 =	vperm.xlane v3, v0;
	_ =	sdelay $0x1  }
0x40: {  	v3 =	vperm.xlane v3, v2;
	v4 =	vadd.s32 v1, v4;
	_ =	sdelay $0x1  }
0x41: {  	v3 =	vadd.s32 v1, v3;
	_ =	sdelay $0x1  }
0x42: {  	s0 =	rddreg [dreg:$0xa]  }
0x43: {  	[tilespmem:s0], [sflag:$0x1] =	stream.indirect_vreg.gather [hbm4b:s2+s3], $0x80, v4, vm0, $0xb8;
	[tilespmem:$0x10100] =	vst v63  }
0x44: {  	s7 =	rddreg [dreg:$0xb]  }
0x45: {  	[tilespmem:s7], [sflag:$0x1] =	stream.indirect_vreg.gather [hbm4b:s2+s3], $0x80, v3, vm0, $0xb8;
	[tilespmem:$0x10100] =	vst v63  }
0x46: {  	v3 =	vld [tilespmem:$0x40];
	_ =	sdelay $0x4  }
0x47: {  	v52 =	vshll.u32 v3, $0x1  }
0x48: {  	v3 =	vand.u32 $0x7, v3;
	v4 =	vand.u32 $0xFFFFFFF0, v52  }
0x49: {  	v3 =	vor.u32 v3, v4  }
0x4a: {  	v4 =	vperm.xlane v3, v0;
	_ =	sdelay $0x1  }
0x4b: {  	v3 =	vperm.xlane v3, v2;
	v4 =	vadd.s32 v1, v4;
	_ =	sdelay $0x1  }
0x4c: {  	v3 =	vadd.s32 v1, v3;
	_ =	sdelay $0x1  }
0x4d: {  	s7 =	simm.s32 $0x4100  }
0x4e: {  	[tilespmem:s7], [sflag:$0x1] =	stream.indirect_vreg.gather [hbm4b:s2+s3], $0x80, v4, vm0, $0xb8;
	[tilespmem:$0x10100] =	vst v63  }
0x4f: {  	_ = 	snop  }
0x50: {  	[tilespmem:s8], [sflag:$0x1] =	stream.indirect_vreg.gather [hbm4b:s2+s3], $0x80, v3, vm0, $0xb8;
	[tilespmem:$0x10100] =	vst v63  }
0x51: {  	v3 =	vld [tilespmem:$0x50];
	_ =	sdelay $0x4  }
0x52: {  	v53 =	vshll.u32 v3, $0x1  }
0x53: {  	v3 =	vand.u32 $0x7, v3;
	v4 =	vand.u32 $0xFFFFFFF0, v53  }
0x54: {  	v3 =	vor.u32 v3, v4  }
0x55: {  	v4 =	vperm.xlane v3, v0;
	_ =	sdelay $0x1  }
0x56: {  	v3 =	vperm.xlane v3, v2;
	v4 =	vadd.s32 v1, v4;
	_ =	sdelay $0x1  }
0x57: {  	v3 =	vadd.s32 v1, v3;
	_ =	sdelay $0x2  }
0x58: {  	[tilespmem:s9], [sflag:$0x1] =	stream.indirect_vreg.gather [hbm4b:s2+s3], $0x80, v4, vm0, $0xb8;
	[tilespmem:$0x10100] =	vst v63  }
0x59: {  	_ = 	snop  }
0x5a: {  	[tilespmem:s10], [sflag:$0x1] =	stream.indirect_vreg.gather [hbm4b:s2+s3], $0x80, v3, vm0, $0xb8;
	[tilespmem:$0x10100] =	vst v63  }
0x5b: {  	v3 =	vld [tilespmem:$0x60];
	_ =	sdelay $0x4  }
0x5c: {  	v54 =	vshll.u32 v3, $0x1  }
0x5d: {  	v3 =	vand.u32 $0x7, v3;
	v4 =	vand.u32 $0xFFFFFFF0, v54  }
0x5e: {  	v3 =	vor.u32 v3, v4  }
0x5f: {  	v4 =	vperm.xlane v3, v0;
	_ =	sdelay $0x1  }
0x60: {  	v3 =	vperm.xlane v3, v2;
	v4 =	vadd.s32 v1, v4;
	_ =	sdelay $0x1  }
0x61: {  	v3 =	vadd.s32 v1, v3;
	_ =	sdelay $0x2  }
0x62: {  	[tilespmem:s11], [sflag:$0x1] =	stream.indirect_vreg.gather [hbm4b:s2+s3], $0x80, v4, vm0, $0xb8;
	[tilespmem:$0x10100] =	vst v63  }
0x63: {  	_ = 	snop  }
0x64: {  	[tilespmem:s12], [sflag:$0x1] =	stream.indirect_vreg.gather [hbm4b:s2+s3], $0x80, v3, vm0, $0xb8;
	[tilespmem:$0x10100] =	vst v63  }
0x65: {  	v3 =	vld [tilespmem:$0x70];
	_ =	sdelay $0x4  }
0x66: {  	v55 =	vshll.u32 v3, $0x1  }
0x67: {  	v3 =	vand.u32 $0x7, v3;
	v4 =	vand.u32 $0xFFFFFFF0, v55  }
0x68: {  	v3 =	vor.u32 v3, v4  }
0x69: {  	v4 =	vperm.xlane v3, v0;
	_ =	sdelay $0x1  }
0x6a: {  	v3 =	vperm.xlane v3, v2;
	v4 =	vadd.s32 v1, v4;
	_ =	sdelay $0x1  }
0x6b: {  	v3 =	vadd.s32 v1, v3;
	_ =	sdelay $0x2  }
0x6c: {  	[tilespmem:s13], [sflag:$0x1] =	stream.indirect_vreg.gather [hbm4b:s2+s3], $0x80, v4, vm0, $0xb8;
	[tilespmem:$0x10100] =	vst v63  }
0x6d: {  	_ = 	snop  }
0x6e: {  	[tilespmem:s14], [sflag:$0x1] =	stream.indirect_vreg.gather [hbm4b:s2+s3], $0x80, v3, vm0, $0xb8;
	[tilespmem:$0x10100] =	vst v63  }
0x6f: {  	v3 =	vld [tilespmem:$0x80];
	_ =	sdelay $0x4  }
0x70: {  	v56 =	vshll.u32 v3, $0x1  }
0x71: {  	v3 =	vand.u32 $0x7, v3;
	v4 =	vand.u32 $0xFFFFFFF0, v56  }
0x72: {  	v3 =	vor.u32 v3, v4  }
0x73: {  	v4 =	vperm.xlane v3, v0;
	_ =	sdelay $0x1  }
0x74: {  	v3 =	vperm.xlane v3, v2;
	v4 =	vadd.s32 v1, v4;
	_ =	sdelay $0x1  }
0x75: {  	v3 =	vadd.s32 v1, v3;
	_ =	sdelay $0x2  }
0x76: {  	[tilespmem:s15], [sflag:$0x1] =	stream.indirect_vreg.gather [hbm4b:s2+s3], $0x80, v4, vm0, $0xb8;
	[tilespmem:$0x10100] =	vst v63  }
0x77: {  	_ = 	snop  }
0x78: {  	[tilespmem:s16], [sflag:$0x1] =	stream.indirect_vreg.gather [hbm4b:s2+s3], $0x80, v3, vm0, $0xb8;
	[tilespmem:$0x10100] =	vst v63  }
0x79: {  	v3 =	vld [tilespmem:$0x90];
	_ =	sdelay $0x4  }
0x7a: {  	v57 =	vshll.u32 v3, $0x1  }
0x7b: {  	v3 =	vand.u32 $0x7, v3;
	v4 =	vand.u32 $0xFFFFFFF0, v57  }
0x7c: {  	v3 =	vor.u32 v3, v4  }
0x7d: {  	v4 =	vperm.xlane v3, v0;
	_ =	sdelay $0x1  }
0x7e: {  	v3 =	vperm.xlane v3, v2;
	v4 =	vadd.s32 v1, v4;
	_ =	sdelay $0x1  }
0x7f: {  	v3 =	vadd.s32 v1, v3;
	_ =	sdelay $0x2  }
0x80: {  	[tilespmem:s17], [sflag:$0x1] =	stream.indirect_vreg.gather [hbm4b:s2+s3], $0x80, v4, vm0, $0xb8;
	[tilespmem:$0x10100] =	vst v63  }
0x81: {  	_ = 	snop  }
0x82: {  	[tilespmem:s18], [sflag:$0x1] =	stream.indirect_vreg.gather [hbm4b:s2+s3], $0x80, v3, vm0, $0xb8;
	[tilespmem:$0x10100] =	vst v63  }
0x83: {  	v3 =	vld [tilespmem:$0xA0];
	_ =	sdelay $0x4  }
0x84: {  	v58 =	vshll.u32 v3, $0x1  }
0x85: {  	v3 =	vand.u32 $0x7, v3;
	v4 =	vand.u32 $0xFFFFFFF0, v58  }
0x86: {  	v3 =	vor.u32 v3, v4  }
0x87: {  	v4 =	vperm.xlane v3, v0;
	_ =	sdelay $0x1  }
0x88: {  	v3 =	vperm.xlane v3, v2;
	v4 =	vadd.s32 v1, v4;
	_ =	sdelay $0x1  }
0x89: {  	v3 =	vadd.s32 v1, v3;
	_ =	sdelay $0x2  }
0x8a: {  	[tilespmem:s19], [sflag:$0x1] =	stream.indirect_vreg.gather [hbm4b:s2+s3], $0x80, v4, vm0, $0xb8;
	[tilespmem:$0x10100] =	vst v63  }
0x8b: {  	_ = 	snop  }
0x8c: {  	[tilespmem:s20], [sflag:$0x1] =	stream.indirect_vreg.gather [hbm4b:s2+s3], $0x80, v3, vm0, $0xb8;
	[tilespmem:$0x10100] =	vst v63  }
0x8d: {  	v3 =	vld [tilespmem:$0xB0];
	_ =	sdelay $0x4  }
0x8e: {  	v59 =	vshll.u32 v3, $0x1  }
0x8f: {  	v3 =	vand.u32 $0x7, v3;
	v4 =	vand.u32 $0xFFFFFFF0, v59  }
0x90: {  	v3 =	vor.u32 v3, v4  }
0x91: {  	v4 =	vperm.xlane v3, v0;
	_ =	sdelay $0x1  }
0x92: {  	v3 =	vperm.xlane v3, v2;
	v4 =	vadd.s32 v1, v4;
	_ =	sdelay $0x1  }
0x93: {  	v3 =	vadd.s32 v1, v3;
	_ =	sdelay $0x2  }
0x94: {  	[tilespmem:s21], [sflag:$0x1] =	stream.indirect_vreg.gather [hbm4b:s2+s3], $0x80, v4, vm0, $0xb8;
	[tilespmem:$0x10100] =	vst v63  }
0x95: {  	_ = 	snop  }
0x96: {  	[tilespmem:s22], [sflag:$0x1] =	stream.indirect_vreg.gather [hbm4b:s2+s3], $0x80, v3, vm0, $0xb8;
	[tilespmem:$0x10100] =	vst v63  }
0x97: {  	v3 =	vld [tilespmem:$0xC0];
	_ =	sdelay $0x4  }
0x98: {  	v60 =	vshll.u32 v3, $0x1  }
0x99: {  	v3 =	vand.u32 $0x7, v3;
	v4 =	vand.u32 $0xFFFFFFF0, v60  }
0x9a: {  	v3 =	vor.u32 v3, v4  }
0x9b: {  	v4 =	vperm.xlane v3, v0;
	_ =	sdelay $0x1  }
0x9c: {  	v3 =	vperm.xlane v3, v2;
	v4 =	vadd.s32 v1, v4;
	_ =	sdelay $0x1  }
0x9d: {  	v3 =	vadd.s32 v1, v3;
	_ =	sdelay $0x2  }
0x9e: {  	[tilespmem:s23], [sflag:$0x1] =	stream.indirect_vreg.gather [hbm4b:s2+s3], $0x80, v4, vm0, $0xb8;
	[tilespmem:$0x10100] =	vst v63  }
0x9f: {  	_ = 	snop  }
0xa0: {  	[tilespmem:s24], [sflag:$0x1] =	stream.indirect_vreg.gather [hbm4b:s2+s3], $0x80, v3, vm0, $0xb8;
	[tilespmem:$0x10100] =	vst v63  }
0xa1: {  	v3 =	vld [tilespmem:$0xD0];
	_ =	sdelay $0x4  }
0xa2: {  	v61 =	vshll.u32 v3, $0x1  }
0xa3: {  	v3 =	vand.u32 $0x7, v3;
	v4 =	vand.u32 $0xFFFFFFF0, v61  }
0xa4: {  	v3 =	vor.u32 v3, v4  }
0xa5: {  	v4 =	vperm.xlane v3, v0;
	_ =	sdelay $0x1  }
0xa6: {  	v3 =	vperm.xlane v3, v2;
	v4 =	vadd.s32 v1, v4;
	_ =	sdelay $0x1  }
0xa7: {  	v3 =	vadd.s32 v1, v3;
	_ =	sdelay $0x2  }
0xa8: {  	[tilespmem:s25], [sflag:$0x1] =	stream.indirect_vreg.gather [hbm4b:s2+s3], $0x80, v4, vm0, $0xb8;
	[tilespmem:$0x10100] =	vst v63  }
0xa9: {  	_ = 	snop  }
0xaa: {  	[tilespmem:s26], [sflag:$0x1] =	stream.indirect_vreg.gather [hbm4b:s2+s3], $0x80, v3, vm0, $0xb8;
	[tilespmem:$0x10100] =	vst v63  }
0xab: {  	v3 =	vld [tilespmem:$0xE0];
	_ =	sdelay $0x4  }
0xac: {  	v62 =	vshll.u32 v3, $0x1  }
0xad: {  	v3 =	vand.u32 $0x7, v3;
	v4 =	vand.u32 $0xFFFFFFF0, v62  }
0xae: {  	v3 =	vor.u32 v3, v4  }
0xaf: {  	v4 =	vperm.xlane v3, v0;
	_ =	sdelay $0x1  }
0xb0: {  	v3 =	vperm.xlane v3, v2;
	v4 =	vadd.s32 v1, v4;
	_ =	sdelay $0x1  }
0xb1: {  	v3 =	vadd.s32 v1, v3;
	_ =	sdelay $0x2  }
0xb2: {  	[tilespmem:s28], [sflag:$0x1] =	stream.indirect_vreg.gather [hbm4b:s2+s3], $0x80, v4, vm0, $0xb8;
	[tilespmem:$0x10100] =	vst v63  }
0xb3: {  	_ = 	snop  }
0xb4: {  	[tilespmem:s29], [sflag:$0x1] =	stream.indirect_vreg.gather [hbm4b:s2+s3], $0x80, v3, vm0, $0xb8;
	[tilespmem:$0x10100] =	vst v63  }
0xb5: {  	v3 =	vld [tilespmem:$0xF0];
	_ =	sdelay $0x4  }
0xb6: {  	v63 =	vshll.u32 v3, $0x1  }
0xb7: {  	v3 =	vand.u32 $0x7, v3;
	v4 =	vand.u32 $0xFFFFFFF0, v63  }
0xb8: {  	v3 =	vor.u32 v3, v4  }
0xb9: {  	v4 =	vperm.xlane v3, v0;
	_ =	sdelay $0x1  }
0xba: {  	v3 =	vperm.xlane v3, v2;
	v4 =	vadd.s32 v1, v4;
	_ =	sdelay $0x1  }
0xbb: {  	v3 =	vadd.s32 v1, v3;
	_ =	sdelay $0x2  }
0xbc: {  	[tilespmem:s30], [sflag:$0x1] =	stream.indirect_vreg.gather [hbm4b:s2+s3], $0x80, v4, vm0, $0xb8;
	[tilespmem:$0x10100] =	vst v63  }
0xbd: {  	_ = 	snop  }
0xbe: {  	[tilespmem:s31], [sflag:$0x1] =	stream.indirect_vreg.gather [hbm4b:s2+s3], $0x80, v3, vm0, $0xb8;
	[tilespmem:$0x10100] =	vst v63  }
0xbf: {  	_ =	swait.ge [sflag:s1], $0x10000  }
0xc0: {  	p0 =	sne.s32 s4, $0x1;
	[sflag:s1] =	ssyncset.done $0x0  }
.Ltmp0:
0xc1: {  	s7 =	rddreg [dreg:$0x4];
	[sflag:s1] =	ssyncadd.s32 $0xFFFF0000;
	(pc) =	sbr.rel @p0 .LBB2_1-.Ltmp0, $4  }
0xc2: {  	[hbm4b:s7+s3] =	stream.linear.scatter [tilespmem:s6], [sflag:$0x2], $0x10000, $0x38;
	[tilespmem:$0x10100] =	vst v63  }
0xc3: {  	_ =	swait.ge [sflag:s5], $0x10000  }
0xc4: {  	[sflag:s5] =	ssyncset.done $0x0  }
0xc5: {  	s4 =	sadd.s32 $0xFFFFFFFF, s4;
	[sflag:s5] =	ssyncadd.s32 $0xFFFF0000  }
0xc6: {  	_ =	sfence.sel $0x180000  }
0xc7: {  	[bflag:$0x0] =	sbarrier.arrive $0xFFFF  }
0xc8: {  	_ =	strace $0x9000004A  }
0xc9: {  	s0 =	stileid.u32;
	[bflag:$0x2] =	sbarrier.arrive $0xFFFF  }
0xca: {  	p0 =	sne.s32 s0, $0x0;
	s0 =	rddreg [dreg:$0x2]  }
0xcb: {  	s0 =	sadd.s32 @!p0 $0x100000, s0  }
0xcc: {  	[sflag:s0] =	ssyncadd.tile.s32 @!p0 $0x1;
	_ =	shalt  }
.Lfunc_end2:
_tile_overlayer_lowered:
.L_overlay_start_2:
0xcd: {  	(tag) =	ssettag $0x2  }
0xce: {  	s0 =	rddreg [dreg:$0x0];
	s2 =	stileid.u32  }
0xcf: {  	s1 =	rddreg [dreg:$0x1];
	p0 =	sne.s32 s2, $0x0  }
0xd0: {  	s3 =	rddreg [dreg:$0x2];
	[bflag:$0x3] =	sbarrier.arrive $0xFFFF;
	s2 =	simm.s32 @!p0 $0x1C02  }
0xd1: {  	[timem:s3], [sflag:s2] =	dma.local @!p0 [hbm:s0], s1  }
0xd2: {  	s0 =	simm.s32 @!p0 $0x2  }
0xd3: {  	_ =	swait.ge @!p0 [sflag:s0], s1  }
0xd4: {  	s1 =	ssub.s32 @!p0 $0x0, s1;
	[sflag:s0] =	ssyncset.done @!p0 $0x0  }
0xd5: {  	[sflag:s0] =	ssyncadd.s32 @!p0 s1  }
0xd6: {  	[bflag:$0x3] =	sbarrier.arrive $0xFFFF  }
0xd7: {  	_ =	shalt  }

</sc_bundles>
